<compile_context>
chip_gen: v7x
topology: tpu7x:2x2x1
jax: 0.10.2.dev20260603
libtpu: 0.0.44.dev20260713+nightly
codegen_flags: <defaults>
</compile_context>

<pallas_src>
import jax
import jax.numpy as jnp
from jax import lax
from jax.experimental import pallas as pl
from jax.experimental.pallas import tpu as pltpu
from jax.experimental.pallas import tpu_sc as plsc

_MARGIN = 0.3
_K = 8
_N = 512
_L = 16
_NC = 2
_NS = 16
_NW = _NC * _NS
_RPW = _N // _NW
_NCHUNK = _N // _L


def _sc_body(tbl_ref, tgt_ref, out_ref, t_v, rows_v, loss_v, sem):
    cid = lax.axis_index("c")
    sid = lax.axis_index("s")
    wid = sid * _NC + cid
    base = wid * _RPW

    pltpu.sync_copy(tgt_ref, t_v)
    idxv = t_v[pl.ds(base, _L)]
    pltpu.async_copy(tbl_ref.at[idxv], rows_v, sem).wait()

    iota = lax.iota(jnp.int32, _L)
    lane_lt8 = iota < _K

    pos_inf = jnp.full((_L,), jnp.inf, jnp.float32)
    neg_inf = jnp.full((_L,), -jnp.inf, jnp.float32)

    def _insert(rs, x):
        out = []
        for r in rs:
            out.append(jnp.minimum(r, x))
            x = jnp.maximum(r, x)
        return out

    def _m2(a, b):
        return jnp.sort(jnp.minimum(a, lax.rev(b, (0,))))

    def _top16(rs):
        s = [jnp.sort(r) for r in rs]
        while len(s) > 1:
            nxt = [_m2(s[i], s[i + 1]) for i in range(0, len(s) - 1, 2)]
            if len(s) % 2:
                nxt.append(s[-1])
            s = nxt
        return s[0]

    def row_body(l, acc):
        lane_l = iota == l
        ti = jnp.sum(jnp.where(lane_l, idxv, 0))

        def chunk(c, carry):
            mx, mn, cl = carry[0], carry[1], carry[2]
            r1s, r2s = list(carry[3:5]), list(carry[5:13])
            v = rows_v[l, pl.ds(c * _L, _L)]
            tc_ = t_v[pl.ds(c * _L, _L)]
            m = tc_ == ti
            mx = jnp.maximum(mx, v)
            mn = jnp.minimum(mn, v)
            cl = cl + jnp.where(m, 1, 0)
            x1 = jnp.where(m, v, jnp.inf)
            x2 = jnp.where(m, jnp.inf, -v)
            r1s = _insert(r1s, x1)
            r2s = _insert(r2s, x2)
            return (mx, mn, cl, *r1s, *r2s)

        res = lax.fori_loop(
            0, _NCHUNK, chunk,
            (neg_inf, pos_inf, jnp.zeros((_L,), jnp.int32)) + (pos_inf,) * 10)
        mx, mn, cl = res[0], res[1], res[2]

        def b1_fast(_):
            return _top16(list(res[3:5]))

        def b1_exact(_):
            def mrg(c, b):
                v = rows_v[l, pl.ds(c * _L, _L)]
                tc_ = t_v[pl.ds(c * _L, _L)]
                ch = jnp.where(tc_ == ti, v, jnp.inf)
                return _m2(b, jnp.sort(ch))
            return lax.fori_loop(0, _NCHUNK, mrg, pos_inf)

        b1 = lax.cond(jnp.max(cl) > 2, b1_exact, b1_fast, 0)
        b2 = _top16(list(res[5:13]))
        max1 = jnp.max(mx)
        min2 = jnp.min(mn)
        tmp1 = jnp.minimum(b1, max1)
        tmp2 = jnp.maximum(-b2, min2)

        g_vec = rows_v[l, pl.ds(base, _L)]
        g = jnp.sum(jnp.where(lane_l, g_vec, 0.0))
        ap = jnp.abs(g - tmp1)
        an = g - tmp2

        for bi in range(_K):
            t = jnp.maximum(ap - an[bi] + _MARGIN, 0.0)
            acc = acc + jnp.where(lane_lt8, t, 0.0)
        return acc

    acc = lax.fori_loop(0, _RPW, row_body, jnp.zeros((_L,), jnp.float32))
    loss_v[...] = acc * (1.0 / (_N * _K * _K))
    pltpu.sync_copy(loss_v, out_ref.at[wid])


def _make_sc_kernel(interpret=False):
    return pl.kernel(
        _sc_body,
        out_type=jax.ShapeDtypeStruct((_NW, _L), jnp.float32),
        mesh=plsc.VectorSubcoreMesh(
            core_axis_name="c", subcore_axis_name="s",
            num_cores=_NC, num_subcores=_NS),
        scratch_types=[
            pltpu.VMEM((_N,), jnp.int32),
            pltpu.VMEM((_RPW, _N), jnp.float32),
            pltpu.VMEM((_L,), jnp.float32),
            pltpu.SemaphoreType.DMA,
        ],
        compiler_params=pltpu.CompilerParams(needs_layout_passes=False),
        interpret=interpret,
    )


def _sum_body(x_ref, o_ref):
    o_ref[...] = jnp.full((1, 1), jnp.sum(x_ref[...]), jnp.float32)


@jax.jit
def kernel(inputs, targets):
    inputs_t = inputs.T
    partial = _make_sc_kernel()(inputs_t, targets)
    loss = pl.pallas_call(
        _sum_body,
        out_shape=jax.ShapeDtypeStruct((1, 1), jnp.float32),
    )(partial)
    return loss[0, 0]

# --- scband reference (transcript-rebuilt; emitter-appended) ---
"""Pipeline reference for scband-triplet-loss-50345606644336 (READ-ONLY COPY).

The authoritative reference and input builder live on the scoring server;
editing this copy changes nothing except your own understanding.
"""

import jax, jax.numpy as jnp
import numpy as np

MARGIN = 0.3
NUM_INSTANCES = 8


def setup_inputs(seed: int = 0) -> dict:
    key = jax.random.key(seed)
    k1, k2 = jax.random.split(key)
    inputs = jax.random.normal(k1, (512, 256), dtype=jnp.float32)
    targets = jax.random.randint(k2, (512,), 0, 256, dtype=jnp.int32)
    return {"inputs": inputs, "targets": targets}


def reference(inputs, targets):
    n, C = inputs.shape
    # gt_index: one-hot mask at target class per row (scatter + ge(0.5))
    gt_index = jnp.zeros((n, C), dtype=inputs.dtype).at[jnp.arange(n), targets].set(1.0) >= 0.5
    # masked_select: one element per row -> gt scores
    gt_scores = inputs[jnp.arange(n), targets]
    # same-identity mask [n, n]
    mask = targets[:, None] == targets[None, :]
    # tiled computation: inputs_tile[i, j, :] = inputs[j, :]; gt_index_tile[i, j, :] = gt_index[i, :]
    inputs_tile = jnp.broadcast_to(inputs[None, :, :], (n, n, C))
    gt_index_tile = jnp.broadcast_to(gt_index[:, None, :], (n, n, C))
    gt_scores_tile = jnp.sum(inputs_tile * gt_index_tile.astype(inputs.dtype), axis=2)
    k = min(n, NUM_INSTANCES)
    max1 = jnp.max(gt_scores_tile, axis=1, keepdims=True)
    masked1 = (gt_scores_tile - max1) * mask.astype(inputs.dtype)
    # topk largest=False -> negate, top_k, negate back (ascending smallest)
    tmp1 = -jax.lax.top_k(-masked1, k)[0] + max1
    min2 = jnp.min(gt_scores_tile, axis=1, keepdims=True)
    masked2 = (gt_scores_tile - min2) * (~mask).astype(inputs.dtype)
    tmp2 = jax.lax.top_k(masked2, k)[0] + min2
    tmp1 = jnp.abs(gt_scores[:, None] - tmp1)
    tmp2 = gt_scores[:, None] - tmp2
    # dist_ap: each tmp1 element repeated NUM_INSTANCES times (interleaved)
    dist_ap = jnp.repeat(tmp1.reshape(n, -1, 1), NUM_INSTANCES, axis=2).reshape(n, -1).reshape(-1)
    # dist_an: whole row tiled NUM_INSTANCES times
    dist_an = jnp.tile(tmp2, (1, NUM_INSTANCES)).reshape(n, -1).reshape(-1)
    # MarginRankingLoss with y = 1: mean(max(0, -(dist_an - dist_ap) + margin))
    loss = jnp.mean(jnp.maximum(0.0, -(dist_an - dist_ap) + MARGIN))
    return loss

if __name__ == "__main__":
    import jax
    _d = setup_inputs()
    print(jax.jit(kernel)(*tuple(_d.values())))

</pallas_src>

<mosaic_0001>
#map = affine_map<(d0, d1) -> (0, 0)>
#map1 = affine_map<(d0, d1) -> (0)>
module attributes {stable_mosaic.version = 14 : i64} {
  func.func @_sc_body(%arg0: i32, %arg1: i32, %arg2: memref<256x512xf32, #tpu.memory_space<hbm>>, %arg3: memref<512xi32, #tpu.memory_space<hbm>>, %arg4: memref<32x16xf32, #tpu.memory_space<hbm>>, %arg5: memref<512xi32, #tpu.memory_space<vmem>>, %arg6: memref<16x512xf32, #tpu.memory_space<vmem>>, %arg7: memref<16xf32, #tpu.memory_space<vmem>>, %arg8: memref<!tpu.dma_semaphore, #tpu.memory_space<semaphore_mem>>) attributes {dimension_semantics = [#tpu.dimension_semantics<core_parallel>, #tpu.dimension_semantics<subcore_parallel>], iteration_bounds = array<i64: 2, 16>, scalar_prefetch = 0 : i64, scratch_operands = 4 : i64, tpu.core_type = #tpu.core_type<sc_vector_subcore>, window_params = [{transform_indices = #map}, {transform_indices = #map1}, {transform_indices = #map}]} {
    %mul3A = arith.constant 2 : i32
    %mul3A_0 = arith.muli %arg1, %mul3A : i32
    %add3A = arith.addi %mul3A_0, %arg0 : i32
    %mul3A_1 = arith.constant 16 : i32
    %mul3A_2 = arith.muli %add3A, %mul3A_1 : i32
    "tpu.region"() ({
      %run_scoped3A = tpu.sem_alloc : memref<!tpu.dma_semaphore, #tpu.memory_space<semaphore_mem>>
      tpu.enqueue_dma source(%arg3 : memref<512xi32, #tpu.memory_space<hbm>>) target(%arg5 : memref<512xi32, #tpu.memory_space<vmem>>) target_semaphore(%run_scoped3A : memref<!tpu.dma_semaphore, #tpu.memory_space<semaphore_mem>>)
      tpu.wait_dma2 semaphore(%run_scoped3A : memref<!tpu.dma_semaphore, #tpu.memory_space<semaphore_mem>>) src(%arg3 : memref<512xi32, #tpu.memory_space<hbm>>) dst(%arg5 : memref<512xi32, #tpu.memory_space<vmem>>)
      tpu.yield
    }) : () -> ()
    %get3A = arith.index_cast %mul3A_2 : i32 to index
    %get3A_3 = tpu.vector_load %arg5[%get3A] {strides = array<i32>} : memref<512xi32, #tpu.memory_space<vmem>>, vector<16xi32>,
    %dma_start3A = arith.constant 0 : i32
    %dma_start3A_4 = arith.constant 0 : i32
    %dma_start3A_5 = tpu.memref_slice %arg2[%dma_start3A, %dma_start3A_4] : memref<256x512xf32, #tpu.memory_space<hbm>> -> memref<256x512xf32, #tpu.memory_space<hbm>>
    tpu.enqueue_indirect_dma source(%dma_start3A_5 : memref<256x512xf32, #tpu.memory_space<hbm>>) target(%arg6 : memref<16x512xf32, #tpu.memory_space<vmem>>) offsets(%get3A_3 : vector<16xi32>) semaphore(%arg8 : memref<!tpu.dma_semaphore, #tpu.memory_space<semaphore_mem>>)
    %dma_wait3A = arith.constant 0 : i32
    %dma_wait3A_6 = arith.constant 0 : i32
    %dma_wait3A_7 = tpu.memref_slice %arg2[%dma_wait3A, %dma_wait3A_6] : memref<256x512xf32, #tpu.memory_space<hbm>> -> memref<256x512xf32, #tpu.memory_space<hbm>>
    tpu.wait_indirect_dma semaphore(%arg8 : memref<!tpu.dma_semaphore, #tpu.memory_space<semaphore_mem>>) src(%dma_wait3A_7 : memref<256x512xf32, #tpu.memory_space<hbm>>) dst(%arg6 : memref<16x512xf32, #tpu.memory_space<vmem>>)
    %iota3A = tpu.iota {dimensions = array<i32: 0>} : vector<16xi32>
    %lt3A = arith.constant 8 : i32
    %lt3A_8 = vector.broadcast %lt3A : i32 to vector<16xi32>
    %lt3A_9 = arith.cmpi slt, %iota3A, %lt3A_8 : vector<16xi32>
    %broadcast_in_dim3A = arith.constant 0x7F800000 : f32
    %broadcast_in_dim3A_10 = vector.broadcast %broadcast_in_dim3A : f32 to vector<16xf32>
    %broadcast_in_dim3A_11 = arith.constant 0xFF800000 : f32
    %broadcast_in_dim3A_12 = vector.broadcast %broadcast_in_dim3A_11 : f32 to vector<16xf32>
    %broadcast_in_dim3A_13 = arith.constant 0.000000e+00 : f32
    %broadcast_in_dim3A_14 = vector.broadcast %broadcast_in_dim3A_13 : f32 to vector<16xf32>
    %scan3A = arith.constant 0 : i32
    %scan3A_15 = arith.constant 16 : i32
    %scan3A_16 = arith.addi %scan3A, %scan3A_15 : i32
    %scan3A_17 = arith.constant 1 : i32
    %scan3A_18 = scf.for %scan3A_24 = %scan3A to %scan3A_16 step %scan3A_17 iter_args(%scan3A_25 = %broadcast_in_dim3A_14) -> (vector<16xf32>)  : i32 {
      %eq3A = vector.broadcast %scan3A_24 : i32 to vector<16xi32>
      %eq3A_26 = arith.cmpi eq, %iota3A, %eq3A : vector<16xi32>
      %jit3A = arith.constant 0 : i32
      %broadcast_in_dim3A_27 = vector.broadcast %jit3A : i32 to vector<16xi32>
      %select_n3A = arith.select %eq3A_26, %get3A_3, %broadcast_in_dim3A_27 : vector<16xi1>, vector<16xi32>
      %reduce_sum3A = arith.constant true
      %reduce_sum3A_28 = vector.broadcast %reduce_sum3A : i1 to vector<16xi1>
      %reduce_sum3A_29 = tpu.scan <sum>, %select_n3A masked %reduce_sum3A_28 : vector<16xi32>, vector<16xi1> -> vector<16xi32>
      %reduce_sum3A_30 = vector.extract %reduce_sum3A_29[15] : i32 from vector<16xi32>
      %broadcast_in_dim3A_31 = arith.constant 0 : i32
      %broadcast_in_dim3A_32 = vector.broadcast %broadcast_in_dim3A_31 : i32 to vector<16xi32>
      %scan3A_33 = arith.constant 0 : i32
      %scan3A_34 = arith.constant 32 : i32
      %scan3A_35 = arith.addi %scan3A_33, %scan3A_34 : i32
      %scan3A_36 = arith.constant 1 : i32
      %scan3A_37:13 = scf.for %scan3A_284 = %scan3A_33 to %scan3A_35 step %scan3A_36 iter_args(%scan3A_285 = %broadcast_in_dim3A_12, %scan3A_286 = %broadcast_in_dim3A_10, %scan3A_287 = %broadcast_in_dim3A_32, %scan3A_288 = %broadcast_in_dim3A_10, %scan3A_289 = %broadcast_in_dim3A_10, %scan3A_290 = %broadcast_in_dim3A_10, %scan3A_291 = %broadcast_in_dim3A_10, %scan3A_292 = %broadcast_in_dim3A_10, %scan3A_293 = %broadcast_in_dim3A_10, %scan3A_294 = %broadcast_in_dim3A_10, %scan3A_295 = %broadcast_in_dim3A_10, %scan3A_296 = %broadcast_in_dim3A_10, %scan3A_297 = %broadcast_in_dim3A_10) -> (vector<16xf32>, vector<16xf32>, vector<16xi32>, vector<16xf32>, vector<16xf32>, vector<16xf32>, vector<16xf32>, vector<16xf32>, vector<16xf32>, vector<16xf32>, vector<16xf32>, vector<16xf32>, vector<16xf32>)  : i32 {
        %mul3A_298 = arith.constant 16 : i32
        %mul3A_299 = arith.muli %scan3A_284, %mul3A_298 : i32
        %get3A_300 = arith.index_cast %scan3A_24 : i32 to index
        %get3A_301 = arith.index_cast %mul3A_299 : i32 to index
        %get3A_302 = tpu.vector_load %arg6[%get3A_300, %get3A_301] {strides = array<i32>} : memref<16x512xf32, #tpu.memory_space<vmem>>, vector<16xf32>,
        %mul3A_303 = arith.constant 16 : i32
        %mul3A_304 = arith.muli %scan3A_284, %mul3A_303 : i32
        %get3A_305 = arith.index_cast %mul3A_304 : i32 to index
        %get3A_306 = tpu.vector_load %arg5[%get3A_305] {strides = array<i32>} : memref<512xi32, #tpu.memory_space<vmem>>, vector<16xi32>,
        %eq3A_307 = vector.broadcast %reduce_sum3A_30 : i32 to vector<16xi32>
        %eq3A_308 = arith.cmpi eq, %get3A_306, %eq3A_307 : vector<16xi32>
        %max3A_309 = arith.maximumf %scan3A_285, %get3A_302 : vector<16xf32>
        %min3A_310 = arith.minimumf %scan3A_286, %get3A_302 : vector<16xf32>
        %jit3A_311 = arith.constant 1 : i32
        %jit3A_312 = arith.constant 0 : i32
        %broadcast_in_dim3A_313 = vector.broadcast %jit3A_311 : i32 to vector<16xi32>
        %broadcast_in_dim3A_314 = vector.broadcast %jit3A_312 : i32 to vector<16xi32>
        %select_n3A_315 = arith.select %eq3A_308, %broadcast_in_dim3A_313, %broadcast_in_dim3A_314 : vector<16xi1>, vector<16xi32>
        %add3A_316 = arith.addi %scan3A_287, %select_n3A_315 : vector<16xi32>
        %jit3A_317 = arith.constant 0x7F800000 : f32
        %broadcast_in_dim3A_318 = vector.broadcast %jit3A_317 : f32 to vector<16xf32>
        %select_n3A_319 = arith.select %eq3A_308, %get3A_302, %broadcast_in_dim3A_318 : vector<16xi1>, vector<16xf32>
        %neg3A_320 = arith.constant 0.000000e+00 : f32
        %neg3A_321 = vector.broadcast %neg3A_320 : f32 to vector<16xf32>
        %neg3A_322 = arith.subf %neg3A_321, %get3A_302 : vector<16xf32>
        %jit3A_323 = arith.constant 0x7F800000 : f32
        %broadcast_in_dim3A_324 = vector.broadcast %jit3A_323 : f32 to vector<16xf32>
        %select_n3A_325 = arith.select %eq3A_308, %broadcast_in_dim3A_324, %neg3A_322 : vector<16xi1>, vector<16xf32>
        %min3A_326 = arith.minimumf %scan3A_288, %select_n3A_319 : vector<16xf32>
        %max3A_327 = arith.maximumf %scan3A_288, %select_n3A_319 : vector<16xf32>
        %min3A_328 = arith.minimumf %scan3A_289, %max3A_327 : vector<16xf32>
        %max3A_329 = arith.maximumf %scan3A_289, %max3A_327 : vector<16xf32>
        %min3A_330 = arith.minimumf %scan3A_290, %select_n3A_325 : vector<16xf32>
        %max3A_331 = arith.maximumf %scan3A_290, %select_n3A_325 : vector<16xf32>
        %min3A_332 = arith.minimumf %scan3A_291, %max3A_331 : vector<16xf32>
        %max3A_333 = arith.maximumf %scan3A_291, %max3A_331 : vector<16xf32>
        %min3A_334 = arith.minimumf %scan3A_292, %max3A_333 : vector<16xf32>
        %max3A_335 = arith.maximumf %scan3A_292, %max3A_333 : vector<16xf32>
        %min3A_336 = arith.minimumf %scan3A_293, %max3A_335 : vector<16xf32>
        %max3A_337 = arith.maximumf %scan3A_293, %max3A_335 : vector<16xf32>
        %min3A_338 = arith.minimumf %scan3A_294, %max3A_337 : vector<16xf32>
        %max3A_339 = arith.maximumf %scan3A_294, %max3A_337 : vector<16xf32>
        %min3A_340 = arith.minimumf %scan3A_295, %max3A_339 : vector<16xf32>
        %max3A_341 = arith.maximumf %scan3A_295, %max3A_339 : vector<16xf32>
        %min3A_342 = arith.minimumf %scan3A_296, %max3A_341 : vector<16xf32>
        %max3A_343 = arith.maximumf %scan3A_296, %max3A_341 : vector<16xf32>
        %min3A_344 = arith.minimumf %scan3A_297, %max3A_343 : vector<16xf32>
        %max3A_345 = arith.maximumf %scan3A_297, %max3A_343 : vector<16xf32>
        scf.yield %max3A_309, %min3A_310, %add3A_316, %min3A_326, %min3A_328, %min3A_330, %min3A_332, %min3A_334, %min3A_336, %min3A_338, %min3A_340, %min3A_342, %min3A_344 : vector<16xf32>, vector<16xf32>, vector<16xi32>, vector<16xf32>, vector<16xf32>, vector<16xf32>, vector<16xf32>, vector<16xf32>, vector<16xf32>, vector<16xf32>, vector<16xf32>, vector<16xf32>, vector<16xf32>
      }
      %scan3A_38 = arith.constant 32 : i32
      %reduce_max3A = arith.constant true
      %reduce_max3A_39 = vector.broadcast %reduce_max3A : i1 to vector<16xi1>
      %reduce_max3A_40 = arith.constant -2147483648 : i32
      %reduce_max3A_41 = vector.broadcast %reduce_max3A_40 : i32 to vector<16xi32>
      %reduce_max3A_42 = arith.xori %scan3A_37#2, %reduce_max3A_41 : vector<16xi32>
      %reduce_max3A_43 = tpu.scan <max>, %reduce_max3A_42 masked %reduce_max3A_39 : vector<16xi32>, vector<16xi1> -> vector<16xi32>
      %reduce_max3A_44 = arith.xori %reduce_max3A_43, %reduce_max3A_41 : vector<16xi32>
      %reduce_max3A_45 = vector.extract %reduce_max3A_44[15] : i32 from vector<16xi32>
      %gt3A = arith.constant 2 : i32
      %gt3A_46 = arith.cmpi sgt, %reduce_max3A_45, %gt3A : i32
      %convert_element_type3A = arith.extui %gt3A_46 : i1 to i32
      %cond3A = arith.constant 0 : i32
      %cond3A_47 = arith.constant 0 : i32
      %cond3A_48 = arith.cmpi ne, %convert_element_type3A, %cond3A_47 : i32
      %cond3A_49 = scf.if %cond3A_48 -> (vector<16xf32>) {
        %scan3A_284 = arith.constant 0 : i32
        %scan3A_285 = arith.constant 32 : i32
        %scan3A_286 = arith.addi %scan3A_284, %scan3A_285 : i32
        %scan3A_287 = arith.constant 1 : i32
        %scan3A_288 = scf.for %scan3A_290 = %scan3A_284 to %scan3A_286 step %scan3A_287 iter_args(%scan3A_291 = %broadcast_in_dim3A_10) -> (vector<16xf32>)  : i32 {
          %mul3A_292 = arith.constant 16 : i32
          %mul3A_293 = arith.muli %scan3A_290, %mul3A_292 : i32
          %get3A_294 = arith.index_cast %scan3A_24 : i32 to index
          %get3A_295 = arith.index_cast %mul3A_293 : i32 to index
          %get3A_296 = tpu.vector_load %arg6[%get3A_294, %get3A_295] {strides = array<i32>} : memref<16x512xf32, #tpu.memory_space<vmem>>, vector<16xf32>,
          %mul3A_297 = arith.constant 16 : i32
          %mul3A_298 = arith.muli %scan3A_290, %mul3A_297 : i32
          %get3A_299 = arith.index_cast %mul3A_298 : i32 to index
          %get3A_300 = tpu.vector_load %arg5[%get3A_299] {strides = array<i32>} : memref<512xi32, #tpu.memory_space<vmem>>, vector<16xi32>,
          %eq3A_301 = vector.broadcast %reduce_sum3A_30 : i32 to vector<16xi32>
          %eq3A_302 = arith.cmpi eq, %get3A_300, %eq3A_301 : vector<16xi32>
          %jit3A_303 = arith.constant 0x7F800000 : f32
          %broadcast_in_dim3A_304 = vector.broadcast %jit3A_303 : f32 to vector<16xf32>
          %select_n3A_305 = arith.select %eq3A_302, %get3A_296, %broadcast_in_dim3A_304 : vector<16xi1>, vector<16xf32>
          %sort3A_306 = arith.constant dense<true> : vector<16xi1>
          %sort3A_307, %sort3A_308, %sort3A_309 = tpu.sort %select_n3A_305, %select_n3A_305 masked %sort3A_306 : (vector<16xf32>, vector<16xf32>, vector<16xi1>) -> (vector<16xi1>, vector<16xf32>, vector<16xf32>)
          %rev3A_310 = arith.constant 15 : i32
          %rev3A_311 = vector.broadcast %rev3A_310 : i32 to vector<16xi32>
          %rev3A_312 = tpu.iota {dimensions = array<i32: 0>} : vector<16xi32>
          %rev3A_313 = arith.subi %rev3A_311, %rev3A_312 : vector<16xi32>
          %rev3A_314 = tpu.dynamic_gather %sort3A_308[%rev3A_313] in [0] : vector<16xf32>, vector<16xi32> -> vector<16xf32>
          %min3A_315 = arith.minimumf %scan3A_291, %rev3A_314 : vector<16xf32>
          %sort3A_316 = arith.constant dense<true> : vector<16xi1>
          %sort3A_317, %sort3A_318, %sort3A_319 = tpu.sort %min3A_315, %min3A_315 masked %sort3A_316 : (vector<16xf32>, vector<16xf32>, vector<16xi1>) -> (vector<16xi1>, vector<16xf32>, vector<16xf32>)
          scf.yield %sort3A_318 : vector<16xf32>
        }
        %scan3A_289 = arith.constant 32 : i32
        scf.yield %scan3A_288 : vector<16xf32>
      } else {
        %sort3A_284 = arith.constant dense<true> : vector<16xi1>
        %sort3A_285, %sort3A_286, %sort3A_287 = tpu.sort %scan3A_37#3, %scan3A_37#3 masked %sort3A_284 : (vector<16xf32>, vector<16xf32>, vector<16xi1>) -> (vector<16xi1>, vector<16xf32>, vector<16xf32>)
        %sort3A_288 = arith.constant dense<true> : vector<16xi1>
        %sort3A_289, %sort3A_290, %sort3A_291 = tpu.sort %scan3A_37#4, %scan3A_37#4 masked %sort3A_288 : (vector<16xf32>, vector<16xf32>, vector<16xi1>) -> (vector<16xi1>, vector<16xf32>, vector<16xf32>)
        %rev3A_292 = arith.constant 15 : i32
        %rev3A_293 = vector.broadcast %rev3A_292 : i32 to vector<16xi32>
        %rev3A_294 = tpu.iota {dimensions = array<i32: 0>} : vector<16xi32>
        %rev3A_295 = arith.subi %rev3A_293, %rev3A_294 : vector<16xi32>
        %rev3A_296 = tpu.dynamic_gather %sort3A_290[%rev3A_295] in [0] : vector<16xf32>, vector<16xi32> -> vector<16xf32>
        %min3A_297 = arith.minimumf %sort3A_286, %rev3A_296 : vector<16xf32>
        %sort3A_298 = arith.constant dense<true> : vector<16xi1>
        %sort3A_299, %sort3A_300, %sort3A_301 = tpu.sort %min3A_297, %min3A_297 masked %sort3A_298 : (vector<16xf32>, vector<16xf32>, vector<16xi1>) -> (vector<16xi1>, vector<16xf32>, vector<16xf32>)
        scf.yield %sort3A_300 : vector<16xf32>
      }
      %sort3A = arith.constant dense<true> : vector<16xi1>
      %sort3A_50, %sort3A_51, %sort3A_52 = tpu.sort %scan3A_37#5, %scan3A_37#5 masked %sort3A : (vector<16xf32>, vector<16xf32>, vector<16xi1>) -> (vector<16xi1>, vector<16xf32>, vector<16xf32>)
      %sort3A_53 = arith.constant dense<true> : vector<16xi1>
      %sort3A_54, %sort3A_55, %sort3A_56 = tpu.sort %scan3A_37#6, %scan3A_37#6 masked %sort3A_53 : (vector<16xf32>, vector<16xf32>, vector<16xi1>) -> (vector<16xi1>, vector<16xf32>, vector<16xf32>)
      %sort3A_57 = arith.constant dense<true> : vector<16xi1>
      %sort3A_58, %sort3A_59, %sort3A_60 = tpu.sort %scan3A_37#7, %scan3A_37#7 masked %sort3A_57 : (vector<16xf32>, vector<16xf32>, vector<16xi1>) -> (vector<16xi1>, vector<16xf32>, vector<16xf32>)
      %sort3A_61 = arith.constant dense<true> : vector<16xi1>
      %sort3A_62, %sort3A_63, %sort3A_64 = tpu.sort %scan3A_37#8, %scan3A_37#8 masked %sort3A_61 : (vector<16xf32>, vector<16xf32>, vector<16xi1>) -> (vector<16xi1>, vector<16xf32>, vector<16xf32>)
      %sort3A_65 = arith.constant dense<true> : vector<16xi1>
      %sort3A_66, %sort3A_67, %sort3A_68 = tpu.sort %scan3A_37#9, %scan3A_37#9 masked %sort3A_65 : (vector<16xf32>, vector<16xf32>, vector<16xi1>) -> (vector<16xi1>, vector<16xf32>, vector<16xf32>)
      %sort3A_69 = arith.constant dense<true> : vector<16xi1>
      %sort3A_70, %sort3A_71, %sort3A_72 = tpu.sort %scan3A_37#10, %scan3A_37#10 masked %sort3A_69 : (vector<16xf32>, vector<16xf32>, vector<16xi1>) -> (vector<16xi1>, vector<16xf32>, vector<16xf32>)
      %sort3A_73 = arith.constant dense<true> : vector<16xi1>
      %sort3A_74, %sort3A_75, %sort3A_76 = tpu.sort %scan3A_37#11, %scan3A_37#11 masked %sort3A_73 : (vector<16xf32>, vector<16xf32>, vector<16xi1>) -> (vector<16xi1>, vector<16xf32>, vector<16xf32>)
      %sort3A_77 = arith.constant dense<true> : vector<16xi1>
      %sort3A_78, %sort3A_79, %sort3A_80 = tpu.sort %scan3A_37#12, %scan3A_37#12 masked %sort3A_77 : (vector<16xf32>, vector<16xf32>, vector<16xi1>) -> (vector<16xi1>, vector<16xf32>, vector<16xf32>)
      %rev3A = arith.constant 15 : i32
      %rev3A_81 = vector.broadcast %rev3A : i32 to vector<16xi32>
      %rev3A_82 = tpu.iota {dimensions = array<i32: 0>} : vector<16xi32>
      %rev3A_83 = arith.subi %rev3A_81, %rev3A_82 : vector<16xi32>
      %rev3A_84 = tpu.dynamic_gather %sort3A_55[%rev3A_83] in [0] : vector<16xf32>, vector<16xi32> -> vector<16xf32>
      %min3A = arith.minimumf %sort3A_51, %rev3A_84 : vector<16xf32>
      %sort3A_85 = arith.constant dense<true> : vector<16xi1>
      %sort3A_86, %sort3A_87, %sort3A_88 = tpu.sort %min3A, %min3A masked %sort3A_85 : (vector<16xf32>, vector<16xf32>, vector<16xi1>) -> (vector<16xi1>, vector<16xf32>, vector<16xf32>)
      %rev3A_89 = arith.constant 15 : i32
      %rev3A_90 = vector.broadcast %rev3A_89 : i32 to vector<16xi32>
      %rev3A_91 = tpu.iota {dimensions = array<i32: 0>} : vector<16xi32>
      %rev3A_92 = arith.subi %rev3A_90, %rev3A_91 : vector<16xi32>
      %rev3A_93 = tpu.dynamic_gather %sort3A_63[%rev3A_92] in [0] : vector<16xf32>, vector<16xi32> -> vector<16xf32>
      %min3A_94 = arith.minimumf %sort3A_59, %rev3A_93 : vector<16xf32>
      %sort3A_95 = arith.constant dense<true> : vector<16xi1>
      %sort3A_96, %sort3A_97, %sort3A_98 = tpu.sort %min3A_94, %min3A_94 masked %sort3A_95 : (vector<16xf32>, vector<16xf32>, vector<16xi1>) -> (vector<16xi1>, vector<16xf32>, vector<16xf32>)
      %rev3A_99 = arith.constant 15 : i32
      %rev3A_100 = vector.broadcast %rev3A_99 : i32 to vector<16xi32>
      %rev3A_101 = tpu.iota {dimensions = array<i32: 0>} : vector<16xi32>
      %rev3A_102 = arith.subi %rev3A_100, %rev3A_101 : vector<16xi32>
      %rev3A_103 = tpu.dynamic_gather %sort3A_71[%rev3A_102] in [0] : vector<16xf32>, vector<16xi32> -> vector<16xf32>
      %min3A_104 = arith.minimumf %sort3A_67, %rev3A_103 : vector<16xf32>
      %sort3A_105 = arith.constant dense<true> : vector<16xi1>
      %sort3A_106, %sort3A_107, %sort3A_108 = tpu.sort %min3A_104, %min3A_104 masked %sort3A_105 : (vector<16xf32>, vector<16xf32>, vector<16xi1>) -> (vector<16xi1>, vector<16xf32>, vector<16xf32>)
      %rev3A_109 = arith.constant 15 : i32
      %rev3A_110 = vector.broadcast %rev3A_109 : i32 to vector<16xi32>
      %rev3A_111 = tpu.iota {dimensions = array<i32: 0>} : vector<16xi32>
      %rev3A_112 = arith.subi %rev3A_110, %rev3A_111 : vector<16xi32>
      %rev3A_113 = tpu.dynamic_gather %sort3A_79[%rev3A_112] in [0] : vector<16xf32>, vector<16xi32> -> vector<16xf32>
      %min3A_114 = arith.minimumf %sort3A_75, %rev3A_113 : vector<16xf32>
      %sort3A_115 = arith.constant dense<true> : vector<16xi1>
      %sort3A_116, %sort3A_117, %sort3A_118 = tpu.sort %min3A_114, %min3A_114 masked %sort3A_115 : (vector<16xf32>, vector<16xf32>, vector<16xi1>) -> (vector<16xi1>, vector<16xf32>, vector<16xf32>)
      %rev3A_119 = arith.constant 15 : i32
      %rev3A_120 = vector.broadcast %rev3A_119 : i32 to vector<16xi32>
      %rev3A_121 = tpu.iota {dimensions = array<i32: 0>} : vector<16xi32>
      %rev3A_122 = arith.subi %rev3A_120, %rev3A_121 : vector<16xi32>
      %rev3A_123 = tpu.dynamic_gather %sort3A_97[%rev3A_122] in [0] : vector<16xf32>, vector<16xi32> -> vector<16xf32>
      %min3A_124 = arith.minimumf %sort3A_87, %rev3A_123 : vector<16xf32>
      %sort3A_125 = arith.constant dense<true> : vector<16xi1>
      %sort3A_126, %sort3A_127, %sort3A_128 = tpu.sort %min3A_124, %min3A_124 masked %sort3A_125 : (vector<16xf32>, vector<16xf32>, vector<16xi1>) -> (vector<16xi1>, vector<16xf32>, vector<16xf32>)
      %rev3A_129 = arith.constant 15 : i32
      %rev3A_130 = vector.broadcast %rev3A_129 : i32 to vector<16xi32>
      %rev3A_131 = tpu.iota {dimensions = array<i32: 0>} : vector<16xi32>
      %rev3A_132 = arith.subi %rev3A_130, %rev3A_131 : vector<16xi32>
      %rev3A_133 = tpu.dynamic_gather %sort3A_117[%rev3A_132] in [0] : vector<16xf32>, vector<16xi32> -> vector<16xf32>
      %min3A_134 = arith.minimumf %sort3A_107, %rev3A_133 : vector<16xf32>
      %sort3A_135 = arith.constant dense<true> : vector<16xi1>
      %sort3A_136, %sort3A_137, %sort3A_138 = tpu.sort %min3A_134, %min3A_134 masked %sort3A_135 : (vector<16xf32>, vector<16xf32>, vector<16xi1>) -> (vector<16xi1>, vector<16xf32>, vector<16xf32>)
      %rev3A_139 = arith.constant 15 : i32
      %rev3A_140 = vector.broadcast %rev3A_139 : i32 to vector<16xi32>
      %rev3A_141 = tpu.iota {dimensions = array<i32: 0>} : vector<16xi32>
      %rev3A_142 = arith.subi %rev3A_140, %rev3A_141 : vector<16xi32>
      %rev3A_143 = tpu.dynamic_gather %sort3A_137[%rev3A_142] in [0] : vector<16xf32>, vector<16xi32> -> vector<16xf32>
      %min3A_144 = arith.minimumf %sort3A_127, %rev3A_143 : vector<16xf32>
      %sort3A_145 = arith.constant dense<true> : vector<16xi1>
      %sort3A_146, %sort3A_147, %sort3A_148 = tpu.sort %min3A_144, %min3A_144 masked %sort3A_145 : (vector<16xf32>, vector<16xf32>, vector<16xi1>) -> (vector<16xi1>, vector<16xf32>, vector<16xf32>)
      %reduce_max3A_149 = arith.constant true
      %reduce_max3A_150 = vector.broadcast %reduce_max3A_149 : i1 to vector<16xi1>
      %reduce_max3A_151 = tpu.scan <max>, %scan3A_37#0 masked %reduce_max3A_150 : vector<16xf32>, vector<16xi1> -> vector<16xf32>
      %reduce_max3A_152 = vector.extract %reduce_max3A_151[15] : f32 from vector<16xf32>
      %reduce_min3A = arith.constant true
      %reduce_min3A_153 = vector.broadcast %reduce_min3A : i1 to vector<16xi1>
      %reduce_min3A_154 = tpu.scan <min>, %scan3A_37#1 masked %reduce_min3A_153 : vector<16xf32>, vector<16xi1> -> vector<16xf32>
      %reduce_min3A_155 = vector.extract %reduce_min3A_154[15] : f32 from vector<16xf32>
      %min3A_156 = vector.broadcast %reduce_max3A_152 : f32 to vector<16xf32>
      %min3A_157 = arith.minimumf %cond3A_49, %min3A_156 : vector<16xf32>
      %neg3A = arith.constant 0.000000e+00 : f32
      %neg3A_158 = vector.broadcast %neg3A : f32 to vector<16xf32>
      %neg3A_159 = arith.subf %neg3A_158, %sort3A_147 : vector<16xf32>
      %max3A = vector.broadcast %reduce_min3A_155 : f32 to vector<16xf32>
      %max3A_160 = arith.maximumf %neg3A_159, %max3A : vector<16xf32>
      %get3A_161 = arith.index_cast %scan3A_24 : i32 to index
      %get3A_162 = arith.index_cast %mul3A_2 : i32 to index
      %get3A_163 = tpu.vector_load %arg6[%get3A_161, %get3A_162] {strides = array<i32>} : memref<16x512xf32, #tpu.memory_space<vmem>>, vector<16xf32>,
      %jit3A_164 = arith.constant 0.000000e+00 : f32
      %broadcast_in_dim3A_165 = vector.broadcast %jit3A_164 : f32 to vector<16xf32>
      %select_n3A_166 = arith.select %eq3A_26, %get3A_163, %broadcast_in_dim3A_165 : vector<16xi1>, vector<16xf32>
      %reduce_sum3A_167 = arith.constant true
      %reduce_sum3A_168 = vector.broadcast %reduce_sum3A_167 : i1 to vector<16xi1>
      %reduce_sum3A_169 = tpu.scan <sum>, %select_n3A_166 masked %reduce_sum3A_168 : vector<16xf32>, vector<16xi1> -> vector<16xf32>
      %reduce_sum3A_170 = vector.extract %reduce_sum3A_169[15] : f32 from vector<16xf32>
      %sub3A = vector.broadcast %reduce_sum3A_170 : f32 to vector<16xf32>
      %sub3A_171 = arith.subf %sub3A, %min3A_157 : vector<16xf32>
      %abs3A = math.absf %sub3A_171 : vector<16xf32>
      %sub3A_172 = vector.broadcast %reduce_sum3A_170 : f32 to vector<16xf32>
      %sub3A_173 = arith.subf %sub3A_172, %max3A_160 : vector<16xf32>
      %slice3A = vector.extract_strided_slice %sub3A_173 {offsets = [0], sizes = [1], strides = [1]} : vector<16xf32> to vector<1xf32>
      %squeeze3A = vector.extract %slice3A[0] : f32 from vector<1xf32>
      %sub3A_174 = vector.broadcast %squeeze3A : f32 to vector<16xf32>
      %sub3A_175 = arith.subf %abs3A, %sub3A_174 : vector<16xf32>
      %add3A_176 = arith.constant 3.000000e-01 : f32
      %add3A_177 = vector.broadcast %add3A_176 : f32 to vector<16xf32>
      %add3A_178 = arith.addf %sub3A_175, %add3A_177 : vector<16xf32>
      %max3A_179 = arith.constant 0.000000e+00 : f32
      %max3A_180 = vector.broadcast %max3A_179 : f32 to vector<16xf32>
      %max3A_181 = arith.maximumf %add3A_178, %max3A_180 : vector<16xf32>
      %jit3A_182 = arith.constant 0.000000e+00 : f32
      %broadcast_in_dim3A_183 = vector.broadcast %jit3A_182 : f32 to vector<16xf32>
      %select_n3A_184 = arith.select %lt3A_9, %max3A_181, %broadcast_in_dim3A_183 : vector<16xi1>, vector<16xf32>
      %add3A_185 = arith.addf %scan3A_25, %select_n3A_184 : vector<16xf32>
      %slice3A_186 = vector.extract_strided_slice %sub3A_173 {offsets = [1], sizes = [1], strides = [1]} : vector<16xf32> to vector<1xf32>
      %squeeze3A_187 = vector.extract %slice3A_186[0] : f32 from vector<1xf32>
      %sub3A_188 = vector.broadcast %squeeze3A_187 : f32 to vector<16xf32>
      %sub3A_189 = arith.subf %abs3A, %sub3A_188 : vector<16xf32>
      %add3A_190 = arith.constant 3.000000e-01 : f32
      %add3A_191 = vector.broadcast %add3A_190 : f32 to vector<16xf32>
      %add3A_192 = arith.addf %sub3A_189, %add3A_191 : vector<16xf32>
      %max3A_193 = arith.constant 0.000000e+00 : f32
      %max3A_194 = vector.broadcast %max3A_193 : f32 to vector<16xf32>
      %max3A_195 = arith.maximumf %add3A_192, %max3A_194 : vector<16xf32>
      %jit3A_196 = arith.constant 0.000000e+00 : f32
      %broadcast_in_dim3A_197 = vector.broadcast %jit3A_196 : f32 to vector<16xf32>
      %select_n3A_198 = arith.select %lt3A_9, %max3A_195, %broadcast_in_dim3A_197 : vector<16xi1>, vector<16xf32>
      %add3A_199 = arith.addf %add3A_185, %select_n3A_198 : vector<16xf32>
      %slice3A_200 = vector.extract_strided_slice %sub3A_173 {offsets = [2], sizes = [1], strides = [1]} : vector<16xf32> to vector<1xf32>
      %squeeze3A_201 = vector.extract %slice3A_200[0] : f32 from vector<1xf32>
      %sub3A_202 = vector.broadcast %squeeze3A_201 : f32 to vector<16xf32>
      %sub3A_203 = arith.subf %abs3A, %sub3A_202 : vector<16xf32>
      %add3A_204 = arith.constant 3.000000e-01 : f32
      %add3A_205 = vector.broadcast %add3A_204 : f32 to vector<16xf32>
      %add3A_206 = arith.addf %sub3A_203, %add3A_205 : vector<16xf32>
      %max3A_207 = arith.constant 0.000000e+00 : f32
      %max3A_208 = vector.broadcast %max3A_207 : f32 to vector<16xf32>
      %max3A_209 = arith.maximumf %add3A_206, %max3A_208 : vector<16xf32>
      %jit3A_210 = arith.constant 0.000000e+00 : f32
      %broadcast_in_dim3A_211 = vector.broadcast %jit3A_210 : f32 to vector<16xf32>
      %select_n3A_212 = arith.select %lt3A_9, %max3A_209, %broadcast_in_dim3A_211 : vector<16xi1>, vector<16xf32>
      %add3A_213 = arith.addf %add3A_199, %select_n3A_212 : vector<16xf32>
      %slice3A_214 = vector.extract_strided_slice %sub3A_173 {offsets = [3], sizes = [1], strides = [1]} : vector<16xf32> to vector<1xf32>
      %squeeze3A_215 = vector.extract %slice3A_214[0] : f32 from vector<1xf32>
      %sub3A_216 = vector.broadcast %squeeze3A_215 : f32 to vector<16xf32>
      %sub3A_217 = arith.subf %abs3A, %sub3A_216 : vector<16xf32>
      %add3A_218 = arith.constant 3.000000e-01 : f32
      %add3A_219 = vector.broadcast %add3A_218 : f32 to vector<16xf32>
      %add3A_220 = arith.addf %sub3A_217, %add3A_219 : vector<16xf32>
      %max3A_221 = arith.constant 0.000000e+00 : f32
      %max3A_222 = vector.broadcast %max3A_221 : f32 to vector<16xf32>
      %max3A_223 = arith.maximumf %add3A_220, %max3A_222 : vector<16xf32>
      %jit3A_224 = arith.constant 0.000000e+00 : f32
      %broadcast_in_dim3A_225 = vector.broadcast %jit3A_224 : f32 to vector<16xf32>
      %select_n3A_226 = arith.select %lt3A_9, %max3A_223, %broadcast_in_dim3A_225 : vector<16xi1>, vector<16xf32>
      %add3A_227 = arith.addf %add3A_213, %select_n3A_226 : vector<16xf32>
      %slice3A_228 = vector.extract_strided_slice %sub3A_173 {offsets = [4], sizes = [1], strides = [1]} : vector<16xf32> to vector<1xf32>
      %squeeze3A_229 = vector.extract %slice3A_228[0] : f32 from vector<1xf32>
      %sub3A_230 = vector.broadcast %squeeze3A_229 : f32 to vector<16xf32>
      %sub3A_231 = arith.subf %abs3A, %sub3A_230 : vector<16xf32>
      %add3A_232 = arith.constant 3.000000e-01 : f32
      %add3A_233 = vector.broadcast %add3A_232 : f32 to vector<16xf32>
      %add3A_234 = arith.addf %sub3A_231, %add3A_233 : vector<16xf32>
      %max3A_235 = arith.constant 0.000000e+00 : f32
      %max3A_236 = vector.broadcast %max3A_235 : f32 to vector<16xf32>
      %max3A_237 = arith.maximumf %add3A_234, %max3A_236 : vector<16xf32>
      %jit3A_238 = arith.constant 0.000000e+00 : f32
      %broadcast_in_dim3A_239 = vector.broadcast %jit3A_238 : f32 to vector<16xf32>
      %select_n3A_240 = arith.select %lt3A_9, %max3A_237, %broadcast_in_dim3A_239 : vector<16xi1>, vector<16xf32>
      %add3A_241 = arith.addf %add3A_227, %select_n3A_240 : vector<16xf32>
      %slice3A_242 = vector.extract_strided_slice %sub3A_173 {offsets = [5], sizes = [1], strides = [1]} : vector<16xf32> to vector<1xf32>
      %squeeze3A_243 = vector.extract %slice3A_242[0] : f32 from vector<1xf32>
      %sub3A_244 = vector.broadcast %squeeze3A_243 : f32 to vector<16xf32>
      %sub3A_245 = arith.subf %abs3A, %sub3A_244 : vector<16xf32>
      %add3A_246 = arith.constant 3.000000e-01 : f32
      %add3A_247 = vector.broadcast %add3A_246 : f32 to vector<16xf32>
      %add3A_248 = arith.addf %sub3A_245, %add3A_247 : vector<16xf32>
      %max3A_249 = arith.constant 0.000000e+00 : f32
      %max3A_250 = vector.broadcast %max3A_249 : f32 to vector<16xf32>
      %max3A_251 = arith.maximumf %add3A_248, %max3A_250 : vector<16xf32>
      %jit3A_252 = arith.constant 0.000000e+00 : f32
      %broadcast_in_dim3A_253 = vector.broadcast %jit3A_252 : f32 to vector<16xf32>
      %select_n3A_254 = arith.select %lt3A_9, %max3A_251, %broadcast_in_dim3A_253 : vector<16xi1>, vector<16xf32>
      %add3A_255 = arith.addf %add3A_241, %select_n3A_254 : vector<16xf32>
      %slice3A_256 = vector.extract_strided_slice %sub3A_173 {offsets = [6], sizes = [1], strides = [1]} : vector<16xf32> to vector<1xf32>
      %squeeze3A_257 = vector.extract %slice3A_256[0] : f32 from vector<1xf32>
      %sub3A_258 = vector.broadcast %squeeze3A_257 : f32 to vector<16xf32>
      %sub3A_259 = arith.subf %abs3A, %sub3A_258 : vector<16xf32>
      %add3A_260 = arith.constant 3.000000e-01 : f32
      %add3A_261 = vector.broadcast %add3A_260 : f32 to vector<16xf32>
      %add3A_262 = arith.addf %sub3A_259, %add3A_261 : vector<16xf32>
      %max3A_263 = arith.constant 0.000000e+00 : f32
      %max3A_264 = vector.broadcast %max3A_263 : f32 to vector<16xf32>
      %max3A_265 = arith.maximumf %add3A_262, %max3A_264 : vector<16xf32>
      %jit3A_266 = arith.constant 0.000000e+00 : f32
      %broadcast_in_dim3A_267 = vector.broadcast %jit3A_266 : f32 to vector<16xf32>
      %select_n3A_268 = arith.select %lt3A_9, %max3A_265, %broadcast_in_dim3A_267 : vector<16xi1>, vector<16xf32>
      %add3A_269 = arith.addf %add3A_255, %select_n3A_268 : vector<16xf32>
      %slice3A_270 = vector.extract_strided_slice %sub3A_173 {offsets = [7], sizes = [1], strides = [1]} : vector<16xf32> to vector<1xf32>
      %squeeze3A_271 = vector.extract %slice3A_270[0] : f32 from vector<1xf32>
      %sub3A_272 = vector.broadcast %squeeze3A_271 : f32 to vector<16xf32>
      %sub3A_273 = arith.subf %abs3A, %sub3A_272 : vector<16xf32>
      %add3A_274 = arith.constant 3.000000e-01 : f32
      %add3A_275 = vector.broadcast %add3A_274 : f32 to vector<16xf32>
      %add3A_276 = arith.addf %sub3A_273, %add3A_275 : vector<16xf32>
      %max3A_277 = arith.constant 0.000000e+00 : f32
      %max3A_278 = vector.broadcast %max3A_277 : f32 to vector<16xf32>
      %max3A_279 = arith.maximumf %add3A_276, %max3A_278 : vector<16xf32>
      %jit3A_280 = arith.constant 0.000000e+00 : f32
      %broadcast_in_dim3A_281 = vector.broadcast %jit3A_280 : f32 to vector<16xf32>
      %select_n3A_282 = arith.select %lt3A_9, %max3A_279, %broadcast_in_dim3A_281 : vector<16xi1>, vector<16xf32>
      %add3A_283 = arith.addf %add3A_269, %select_n3A_282 : vector<16xf32>
      scf.yield %add3A_283 : vector<16xf32>
    }
    %scan3A_19 = arith.constant 16 : i32
    %mul3A_20 = arith.constant 3.05175781E-5 : f32
    %mul3A_21 = vector.broadcast %mul3A_20 : f32 to vector<16xf32>
    %mul3A_22 = arith.mulf %scan3A_18, %mul3A_21 : vector<16xf32>
    %swap3A = arith.constant 0 : index
    %swap3A_23 = tpu.vector_load %arg7[%swap3A] {strides = array<i32>} : memref<16xf32, #tpu.memory_space<vmem>>, vector<16xf32>,
    tpu.vector_store %arg7[%swap3A], %mul3A_22 {strides = array<i32>} : memref<16xf32, #tpu.memory_space<vmem>>, vector<16xf32>,
    "tpu.region"() ({
      %run_scoped3A = tpu.sem_alloc : memref<!tpu.dma_semaphore, #tpu.memory_space<semaphore_mem>>
      %dma_start3A_24 = arith.constant 0 : i32
      %dma_start3A_25 = tpu.memref_slice %arg4[%add3A, %dma_start3A_24] : memref<32x16xf32, #tpu.memory_space<hbm>> -> memref<1x16xf32, #tpu.memory_space<hbm>>
      %dma_start3A_26 = tpu.memref_squeeze %dma_start3A_25 : memref<1x16xf32, #tpu.memory_space<hbm>> -> memref<16xf32, #tpu.memory_space<hbm>>
      %dma_start3A_27 = arith.constant 0 : i32
      %dma_start3A_28 = tpu.memref_slice %arg4[%add3A, %dma_start3A_27] : memref<32x16xf32, #tpu.memory_space<hbm>> -> memref<1x16xf32, #tpu.memory_space<hbm>>
      %dma_start3A_29 = tpu.memref_squeeze %dma_start3A_28 : memref<1x16xf32, #tpu.memory_space<hbm>> -> memref<16xf32, #tpu.memory_space<hbm>>
      tpu.enqueue_dma source(%arg7 : memref<16xf32, #tpu.memory_space<vmem>>) target(%dma_start3A_29 : memref<16xf32, #tpu.memory_space<hbm>>) target_semaphore(%run_scoped3A : memref<!tpu.dma_semaphore, #tpu.memory_space<semaphore_mem>>)
      %dma_wait3A_30 = arith.constant 0 : i32
      %dma_wait3A_31 = tpu.memref_slice %arg4[%add3A, %dma_wait3A_30] : memref<32x16xf32, #tpu.memory_space<hbm>> -> memref<1x16xf32, #tpu.memory_space<hbm>>
      %dma_wait3A_32 = tpu.memref_squeeze %dma_wait3A_31 : memref<1x16xf32, #tpu.memory_space<hbm>> -> memref<16xf32, #tpu.memory_space<hbm>>
      %dma_wait3A_33 = arith.constant 0 : i32
      %dma_wait3A_34 = tpu.memref_slice %arg4[%add3A, %dma_wait3A_33] : memref<32x16xf32, #tpu.memory_space<hbm>> -> memref<1x16xf32, #tpu.memory_space<hbm>>
      %dma_wait3A_35 = tpu.memref_squeeze %dma_wait3A_34 : memref<1x16xf32, #tpu.memory_space<hbm>> -> memref<16xf32, #tpu.memory_space<hbm>>
      tpu.wait_dma2 semaphore(%run_scoped3A : memref<!tpu.dma_semaphore, #tpu.memory_space<semaphore_mem>>) src(%arg7 : memref<16xf32, #tpu.memory_space<vmem>>) dst(%dma_wait3A_35 : memref<16xf32, #tpu.memory_space<hbm>>)
      tpu.yield
    }) : () -> ()
    return
  }
}

module attributes {stable_mosaic.version = 14 : i64} {
  func.func @_sum_body(%arg0: memref<32x16xf32, #tpu.memory_space<vmem>>, %arg1: memref<1x1xf32, #tpu.memory_space<vmem>>) attributes {dimension_semantics = [], scalar_prefetch = 0 : i64, scratch_operands = 0 : i64, tpu.core_type = #tpu.core_type<tc>} {
    %get3A = arith.constant 0 : index
    %get3A_0 = arith.constant 0 : index
    %get3A_1 = vector.load %arg0[%get3A, %get3A_0] : memref<32x16xf32, #tpu.memory_space<vmem>>, vector<32x16xf32>
    %reduce_sum3A = vector.shape_cast %get3A_1 : vector<32x16xf32> to vector<1x32x16xf32>
    %reduce_sum3A_2 = arith.constant dense<0.000000e+00> : vector<1xf32>
    %reduce_sum3A_3 = vector.multi_reduction <add>, %reduce_sum3A, %reduce_sum3A_2 [1, 2] : vector<1x32x16xf32> to vector<1xf32>
    %reduce_sum3A_4 = vector.shape_cast %reduce_sum3A_3 : vector<1xf32> to vector<1x1x1xf32>
    %reduce_sum3A_5 = vector.extract %reduce_sum3A_4[0, 0, 0] : f32 from vector<1x1x1xf32>
    %broadcast_in_dim3A = vector.broadcast %reduce_sum3A_5 : f32 to vector<1x1xf32>
    %swap3A = arith.constant 0 : index
    %swap3A_6 = arith.constant 0 : index
    %swap3A_7 = vector.load %arg1[%swap3A, %swap3A_6] : memref<1x1xf32, #tpu.memory_space<vmem>>, vector<1x1xf32>
    tpu.vector_store %arg1[%swap3A, %swap3A_6], %broadcast_in_dim3A {strides = array<i32>} : memref<1x1xf32, #tpu.memory_space<vmem>>, vector<1x1xf32>,
    return
  }
}

</mosaic_0001>

<sc_bundles>
// kernel: kernel.4.cloned.1.call-start
scs
__scs_entry_jumppad:
0x0: {  	(pc) =	sbr.rel $0x88, $3  }
0x1: {  	(tag) =	ssettag $0x0;
	lr =	simm.s32 $0x1  }
0x2: {  	[smem:$0x3F9F] =	sst lr;
	_ =	strace $0xD0000000  }
0x3: {  	_ = 	snop  }
0x4: {  	_ = 	snop  }
0x5: {  	_ = 	snop  }
0x6: {  	_ = 	snop  }
0x7: {  	_ = 	snop  }
__scs_overlays_trampoline_lowered:
0x8: {  	[smem:$0x3FAE] =	sst s0  }
0x9: {  	[smem:$0x3FAF] =	sst s1  }
0xa: {  	[smem:$0x3FB0] =	sst s2  }
0xb: {  	[smem:$0x3FB1] =	sst s3  }
0xc: {  	[smem:$0x3FB2] =	sst s4  }
0xd: {  	[smem:$0x3FB3] =	sst s5  }
0xe: {  	[smem:$0x3FB4] =	sst s6  }
0xf: {  	[smem:$0x3FB5] =	sst s7  }
0x10: {  	[smem:$0x3FB6] =	sst s8  }
0x11: {  	[smem:$0x3FB7] =	sst s9;
	s0 =	simm.s32 @!p0 $0x0  }
0x12: {  	s1 =	sld [smem:$0x3F9D];
	s0 =	simm.s32 @p0 $0x1  }
0x13: {  	[smem:$0x3FB8] =	sst s0;
	s0 =	simm.s32 @!p1 $0x0  }
0x14: {  	s2 =	sld [smem:$0x3F9C];
	s0 =	simm.s32 @p1 $0x1  }
0x15: {  	[smem:$0x3FB9] =	sst s0;
	s0 =	simm.s32 @!p2 $0x0  }
0x16: {  	s3 =	sld [smem:$0x3FDB];
	s0 =	simm.s32 @p2 $0x1  }
0x17: {  	s4 =	simm.s32 $0x1BF5;
	[smem:$0x3FBB] =	sst s0  }
0x18: {  	s0 =	sld [smem:$0x3F9E];
	_ =	swait.ge [sflag:s4], $0x0  }
0x19: {  	s7 =	sld [smem:$0x3F9F]  }
0x1a: {  	s8 =	sadd.s32 $0xFFFFE003, lr  }
0x1b: {  	s9 =	sadd.s32 $0xFFFFFEF7, lr;
	s5 =	simm.s32 $0xFFFFFFFF;
	p2 =	slt.u32 s8, $0xFFFFF086  }
0x1c: {  	p1 =	slt.u32 s9, $0xF7A;
	s5 =	simm.s32 @!p2 $0x0  }
0x1d: {  	s5 =	simm.s32 @p1 $0x1;
	p0 =	seq.s32 s7, s2  }
0x1e: {  	s7 =	smul.u32 @!p0 $0xF7A, s2;
	p2 =	seq.s32 @!p0 s5, $0x0  }
0x1f: {  	s9 =	smul.u32 $0xF7A, s1;
	s8 =	simm.s32 @!p0 $0x1BF5;
	p2 =	por !p2, p0  }
0x20: {  	[sflag:s8] =	ssyncset.s32 @!p0 $0xFFFFF086;
	s6 =	sadd.s32 @!p0 s3, s7;
	s7 =	simm.s32 @!p0 $0x108  }
0x21: {  	s3 =	sadd.s32 s3, s9;
	s6 =	sadd.s32 @!p0 $0x88, s6;
	s7 =	simm.s32 @p2 $0x1082  }
0x22: {  	[simem:s7], [sflag:s8] =	dma.local @!p0 [hbm:s6], $0xF7A  }
0x23: {  	s9 =	sor.u32 $0xD0000000, s2;
	s6 =	simm.s32 $0x108;
	_ =	swait.ge @!p0 [sflag:s8], $0x0  }
0x24: {  	s3 =	sadd.s32 $0x88, s3;
	s6 =	simm.s32 @!p1 $0x1082;
	[sflag:s4] =	ssyncset.s32 $0xFFFFF086  }
0x25: {  	[simem:s6], [sflag:s4] =	dma.local [hbm:s3], $0xF7A  }
0x26: {  	[smem:$0x3F9F] =	sst s1;
	(tag) =	ssettag s2;
	_ =	strace s9  }
0x27: {  	s1 =	sld [smem:$0x3FAF]  }
0x28: {  	s2 =	sld [smem:$0x3FB0]  }
0x29: {  	s4 =	sld [smem:$0x3FB2]  }
0x2a: {  	p0 =	seq.s32 s5, $0x0;
	s5 =	sld [smem:$0x3FB3]  }
0x2b: {  	s6 =	sld [smem:$0x3FB4]  }
0x2c: {  	s7 =	sld [smem:$0x3FB5]  }
0x2d: {  	s3 =	simm.s32 $0x108;
	s8 =	sld [smem:$0x3FB6]  }
0x2e: {  	s3 =	simm.s32 @!p0 $0x1082;
	s9 =	sld [smem:$0x3FB7]  }
0x2f: {  	lr =	sadd.s32 s0, s3;
	s0 =	sld [smem:$0x3FAE]  }
0x30: {  	s3 =	sld [smem:$0x3FB1]  }
0x31: {  	[smem:$0x3FBA] =	sst s10  }
0x32: {  	s10 =	sld [smem:$0x3FB8];
	_ =	sdelay $0x3  }
0x33: {  	p0 =	seq.s32 s10, $0x1;
	s10 =	sld [smem:$0x3FBA];
	_ =	sdelay $0x3  }
0x34: {  	[smem:$0x3FBA] =	sst s10  }
0x35: {  	s10 =	sld [smem:$0x3FB9];
	_ =	sdelay $0x3  }
0x36: {  	p1 =	seq.s32 s10, $0x1;
	s10 =	sld [smem:$0x3FBA];
	_ =	sdelay $0x3  }
0x37: {  	[smem:$0x3FBA] =	sst s10  }
0x38: {  	s10 =	sld [smem:$0x3FBB]  }
0x39: {  	_ = 	snop;
	(pc) =	sbr.ind lr, $3  }
0x3a: {  	_ = 	snop  }
0x3b: {  	_ = 	snop  }
0x3c: {  	p2 =	seq.s32 s10, $0x1;
	s10 =	sld [smem:$0x3FBA]  }
0x3d: {  	_ =	shalt  }
0x3e: {  	_ =	shalt  }
0x3f: {  	_ =	shalt  }
0x40: {  	_ =	shalt  }
0x41: {  	_ =	shalt  }
0x42: {  	_ =	shalt  }
0x43: {  	_ =	shalt  }
0x44: {  	_ =	shalt  }
0x45: {  	_ =	shalt  }
0x46: {  	_ =	shalt  }
0x47: {  	_ =	shalt  }
0x48: {  	_ =	shalt  }
0x49: {  	_ =	shalt  }
0x4a: {  	_ =	shalt  }
0x4b: {  	_ =	shalt  }
0x4c: {  	_ =	shalt  }
0x4d: {  	_ =	shalt  }
0x4e: {  	_ =	shalt  }
0x4f: {  	_ =	shalt  }
0x50: {  	_ =	shalt  }
0x51: {  	_ =	shalt  }
0x52: {  	_ =	shalt  }
0x53: {  	_ =	shalt  }
0x54: {  	_ =	shalt  }
0x55: {  	_ =	shalt  }
0x56: {  	_ =	shalt  }
0x57: {  	_ =	shalt  }
0x58: {  	_ =	shalt  }
0x59: {  	_ =	shalt  }
0x5a: {  	_ =	shalt  }
0x5b: {  	_ =	shalt  }
0x5c: {  	_ =	shalt  }
0x5d: {  	_ =	shalt  }
0x5e: {  	_ =	shalt  }
0x5f: {  	_ =	shalt  }
0x60: {  	_ =	shalt  }
0x61: {  	_ =	shalt  }
0x62: {  	_ =	shalt  }
0x63: {  	_ =	shalt  }
0x64: {  	_ =	shalt  }
0x65: {  	_ =	shalt  }
0x66: {  	_ =	shalt  }
0x67: {  	_ =	shalt  }
0x68: {  	_ =	shalt  }
0x69: {  	_ =	shalt  }
0x6a: {  	_ =	shalt  }
0x6b: {  	_ =	shalt  }
0x6c: {  	_ =	shalt  }
0x6d: {  	_ =	shalt  }
0x6e: {  	_ =	shalt  }
0x6f: {  	_ =	shalt  }
0x70: {  	_ =	shalt  }
0x71: {  	_ =	shalt  }
0x72: {  	_ =	shalt  }
0x73: {  	_ =	shalt  }
0x74: {  	_ =	shalt  }
0x75: {  	_ =	shalt  }
0x76: {  	_ =	shalt  }
0x77: {  	_ =	shalt  }
0x78: {  	_ =	shalt  }
0x79: {  	_ =	shalt  }
0x7a: {  	_ =	shalt  }
0x7b: {  	_ =	shalt  }
0x7c: {  	_ =	shalt  }
0x7d: {  	_ =	shalt  }
0x7e: {  	_ =	shalt  }
0x7f: {  	_ =	shalt  }
0x80: {  	_ =	shalt  }
0x81: {  	_ =	shalt  }
0x82: {  	_ =	shalt  }
0x83: {  	_ =	shalt  }
0x84: {  	_ =	shalt  }
0x85: {  	_ =	shalt  }
0x86: {  	_ =	shalt  }
0x87: {  	_ =	shalt  }
.Lfunc_end0:
.L_simem_size_0:
called_computation_lowered:
.L_overlay_start_0:
0x88: {  	s2 =	sld [smem:$0x3FD9]  }
0x89: {  	s3 =	sld [smem:$0x3FFE];
	_ =	sdelay $0x1  }
0x8a: {  	s1 =	srdreg.scid  }
0x8b: {  	s0 =	sand.u32 $0x1, s1  }
0x8c: {  	s17 =	sshll.u32 s0, $0xA;
	s2 =	sadd.s32 s3, s2  }
0x8d: {  	s2 =	sadd.s32 s2, s17  }
0x8e: {  	[smem:$0x3FC6] =	sst s2  }
0x8f: {  	_ = 	snop  }
0x90: {  	s2 =	sld [smem:$0x3FC8];
	(tm) =	ssettm $0x1  }
0x91: {  	s18 =	sld [smem:$0x3FFB];
	_ =	sdelay $0x3  }
0x92: {  	_ =	strace s18  }
0x93: {  	s3 =	sld [smem:$0x3FFC];
	_ =	sdelay $0x3  }
0x94: {  	_ =	strace s3  }
0x95: {  	s3 =	sld [smem:$0x3FFD];
	_ =	sdelay $0x3  }
0x96: {  	_ =	strace s3  }
0x97: {  	_ =	strace $0x8FFFFFFF  }
0x98: {  	s19 =	sld [smem:$0x3FDB];
	_ =	sdelay $0x1  }
0x99: {  	s4 =	simm.s32 $_scs_section_size  }
0x9a: {  	s5 =	simm.s32 $_size__tile_overlayer_lowered;
	s6 =	simm.s32 $_tile_overlayer_lowered  }
0x9b: {  	s22 =	simm.s32 $0x1BFF;
	s21 =	sshll.u32 s6, $0x1;
	s3 =	sadd.s32 s4, s19  }
0x9c: {  	s7 =	simm.s32 $0x0;
	s20 =	sshll.u32 s5, $0x1;
	s5 =	sadd.s32 s21, s3  }
0x9d: {  	[timem:s7], [sflag:s22] =	dma.local [hbm:s5], s20  }
0x9e: {  	_ =	swait.ge [sflag:s22], s20  }
0x9f: {  	s4 =	ssub.s32 $0x0, s20;
	[sflag:s22] =	ssyncset.done $0x0  }
0xa0: {  	[sflag:s22] =	ssyncadd.s32 s4;
	_ =	sdelay $0x1  }
0xa1: {  	s23 =	simm.s32 $0x1B8B  }
0xa2: {  	_ =	swait.ge [sflag:s23], $0x1  }
0xa3: {  	[sflag:s23] =	ssyncset.done $0x0  }
0xa4: {  	s25 =	simm.s32 $0x1B8E;
	s24 =	sld [smem:$0x3FFE];
	[sflag:s23] =	ssyncadd.s32 $0xFFFFFFFF  }
0xa5: {  	s26 =	simm.s32 $execute0_lowered;
	[smem:$0x3FD2] =	sst s25  }
0xa6: {  	s5 =	sshll.u32 s26, $0x1;
	_ =	strace $0x80000046;
	[dreg:$0x1] =	wrdreg $0xFFFFFFFF  }
0xa7: {  	s28 =	simm.s32 $_size_execute0_lowered;
	s3 =	sadd.s32 s3, s5;
	[dreg:$0x0] =	wrdreg $0x0  }
0xa8: {  	s5 =	sshll.u32 s28, $0x1;
	[dreg:$0x2] =	wrdreg s3  }
0xa9: {  	[dreg:$0x3] =	wrdreg s5  }
0xaa: {  	[dreg:$0x4] =	wrdreg $0xC0  }
0xab: {  	_ =	task [dreg:s7], $0x5FFFF  }
0xac: {  	[dreg:$0x1] =	wrdreg $0xFFFFFFFF  }
0xad: {  	[dreg:$0x0] =	wrdreg $0x60  }
0xae: {  	[dreg:$0x2] =	wrdreg s24  }
0xaf: {  	[dreg:$0x3] =	wrdreg s2  }
0xb0: {  	[dreg:$0x4] =	wrdreg $0x9  }
0xb1: {  	_ =	task.clear_ibuf [dreg:s7], $0x5FFFF;
	_ =	strace $0x90000046  }
0xb2: {  	s29 =	simm.s32 $0x9;
	_ =	strace $0x80000048  }
0xb3: {  	_ =	swait.ge [sflag:s29], $0x1  }
0xb4: {  	[sflag:s29] =	ssyncadd.s32 $0xFFFFFFFF  }
0xb5: {  	_ =	strace $0x90000048  }
0xb6: {  	_ =	sfence  }
0xb7: {  	s30 =	sld [smem:$0x0];
	_ =	sdelay $0x2  }
0xb8: {  	s31 =	sshll.u32 s1, $0xD;
	s1 =	sshrl.u32 s1, $0x2  }
0xb9: {  	s3 =	sand.u32 $0x4000, s31;
	s1 =	sadd.s32 s1, s30  }
0xba: {  	s0 =	sor.u32 s3, s0;
	s1 =	sshll.u32 s1, $0x11  }
0xbb: {  	s0 =	sor.u32 s1, s0  }
0xbc: {  	s0 =	sadd.s32 $0x8F2B, s0  }
0xbd: {  	[sflag:s0] =	ssyncadd.remote.s32 $0x1  }
0xbe: {  	_ =	sfence.sel $0xFFFF  }
0xbf: {  	[dreg:$0x0] =	wrdreg $0xFFFFFFFF;
	(pc) =	sbr.abs _section_cstart, $3  }
0xc0: {  	[dreg:$0x1] =	wrdreg $0xFFFFFFFF  }
0xc1: {  	_ =	task.clear_ibuf [dreg:s7], $0x2FFFF;
	_ =	strace $0x9FFFFFFF  }
0xc2: {  	(tm) =	ssettm $0x7FFFFFFF  }
0xc3: {  	_ =	shalt  }
tec
execute0_lowered:
.L_overlay_start_1:
0x0: {  	(tag) =	ssettag $0x1  }
0x1: {  	s6 =	rddreg [dreg:$0x0]  }
0x2: {  	s1 =	rddreg [dreg:$0x1]  }
0x3: {  	s0 =	rddreg [dreg:$0x2]  }
0x4: {  	s3 =	simm.s32 $0x0;
	s4 =	srdreg.scid;
	s2 =	stileid.u32  }
0x5: {  	s11 =	simm.s32 $0x200;
	s12 =	simm.s32 $0xA00;
	s13 =	simm.s32 $0x1200  }
0x6: {  	s14 =	simm.s32 $0x1A00;
	s15 =	simm.s32 $0x1;
	s16 =	simm.s32 $0x2200  }
0x7: {  	[smem:$0x7FF] =	sst s3;
	s7 =	sand.u32 $0x1, s4;
	s5 =	sshll.u32 s2, $0x5  }
0x8: {  	s4 =	sadd.s32 $0x600, s6;
	s10 =	sshll.u32 s2, $0x8;
	_ =	strace $0x80000047  }
.Ltmp0:
0x9: {  	s8 =	sshll.u32 s7, $0x4;
	s7 =	ssub.s32 $0x2, s7;
	(pc) =	sbr.rel .LBB2_1-.Ltmp0, $4  }
0xa: {  	v0 =	vlaneseq.u32;
	vm0 =	vmmov $0xffff;
	s31 =	sand.u32 $0xC00, s10;
	s5 =	sor.u32 s8, s5;
	s9 =	sshrl.u32 s7, $0x1  }
0xb: {  	v4 =	vimm.s32 $0x0;
	vm1 =	vmmov $0xff;
	v5 =	vmul.u32 $0xFFFFFFFF, v0;
	s10 =	simm.s32 $0x2;
	s8 =	sadd.s32 s5, s6;
	s9 =	ssub.s32 s7, s9  }
0xc: {  	v2 =	vshrl.u32 v0, $0x3;
	v1 =	vand.u32 $0x7, v0;
	v3 =	vor.u32 $0x8, v0;
	s17 =	sand.u32 $0x70, s5;
	s6 =	sadd.s32 $0x700, s6;
	s7 =	sor.u32 $0x200, s31  }
0xd: {  	v2 =	vmul.u32 $0x8, v2;
	v5 =	vadd.s32 $0xF, v5;
	s8 =	sadd.s32 $0x4600, s8;
	s9 =	smax.u32 s9, $0x1;
	v6 =	vmov s17;
	s17 =	simm.s32 $0x0  }
.LBB2_10:
0xe: {  	v7 =	vmul.f32 $3.051757810e-05, v8;
	s17 =	sadd.s32 $0x1, s17  }
0xf: {  	p0 =	sne.s32 s17, s9  }
.Ltmp1:
0x10: {  	[tilespmem:$0x2200] =	vst v7;
	(pc) =	sbr.rel @!p0 .LBB2_11-.Ltmp1, $4  }
0x11: {  	[hbm4b:s8+s3] =	stream.linear.scatter [tilespmem:s16], [sflag:$0x2], $0x80, $0x38;
	[tilespmem:$0x2280] =	vst v63  }
0x12: {  	_ =	swait.ge [sflag:s10], $0x80  }
0x13: {  	[sflag:s10] =	ssyncset.done $0x0  }
0x14: {  	[sflag:s10] =	ssyncadd.s32 $0xFFFFFF80  }
.LBB2_1:
0x15: {  	[tilespmem:s3], [sflag:$0x2] =	stream.linear.gather [hbm4b:s1+s3], $0x200, $0x38;
	[tilespmem:$0x2280] =	vst v63  }
0x16: {  	_ =	swait.ge [sflag:s10], $0x200  }
0x17: {  	[sflag:s10] =	ssyncset.done $0x0  }
0x18: {  	[sflag:s10] =	ssyncadd.s32 $0xFFFFFE00  }
0x19: {  	v7 =	vld [tilespmem:s5+$0x0];
	_ =	sdelay $0x4  }
0x1a: {  	v8 =	vshll.u32 v7, $0x2  }
0x1b: {  	v9 =	vand.u32 $0x7, v7;
	v8 =	vand.u32 $0xFFFFFFE0, v8  }
0x1c: {  	v8 =	vor.u32 v9, v8  }
0x1d: {  	v9 =	vperm.xlane v8, v1;
	_ =	sdelay $0x1  }
0x1e: {  	v9 =	vadd.s32 v2, v9;
	_ =	sdelay $0x1  }
0x1f: {  	v8 =	vperm.xlane v8, v3;
	_ =	sdelay $0x1  }
0x20: {  	v8 =	vadd.s32 v2, v8  }
0x21: {  	[tilespmem:s11], [sflag:$0x1] =	stream.indirect_vreg.gather [hbm4b:s4+s3], $0x80, v9, vm0, $0xb8;
	[tilespmem:$0x2280] =	vst v63  }
0x22: {  	_ = 	snop  }
0x23: {  	[tilespmem:s12], [sflag:$0x1] =	stream.indirect_vreg.gather [hbm4b:s6+s3], $0x80, v9, vm0, $0xb8;
	[tilespmem:$0x2280] =	vst v63  }
0x24: {  	_ = 	snop  }
0x25: {  	[tilespmem:s13], [sflag:$0x1] =	stream.indirect_vreg.gather [hbm4b:s4+s3], $0x80, v8, vm0, $0xb8;
	[tilespmem:$0x2280] =	vst v63  }
.Ltmp2:
0x26: {  	_ = 	snop;
	(pc) =	sbr.rel .LBB2_2-.Ltmp2, $4  }
0x27: {  	[tilespmem:s14], [sflag:$0x1] =	stream.indirect_vreg.gather [hbm4b:s6+s3], $0x80, v8, vm0, $0xb8;
	[tilespmem:$0x2280] =	vst v63  }
0x28: {  	_ =	swait.ge [sflag:s15], $0x2000  }
0x29: {  	[sflag:s15] =	ssyncset.done $0x0  }
0x2a: {  	s18 =	simm.s32 $0x0;
	v8 =	vimm.f32 $0.0e+00;
	[sflag:s15] =	ssyncadd.s32 $0xFFFFE000  }
.LBB2_8:
0x2b: {  	(xrf1) =	vsort.ascd.msk.f32 $0xffff, v20, v20  }
0x2c: {  	(xrf1) =	vsort.ascd.msk.f32 $0xffff, v21, v21;
	_ =	sdelay $0xc  }
0x2d: {  	v9, _, _ =	vpop (xrf1)  }
0x2e: {  	v20, _, _ =	vpop (xrf1)  }
0x2f: {  	v20 =	vperm.xlane v20, v5;
	_ =	sdelay $0x1  }
0x30: {  	v9 =	vmin.f32 v9, v20  }
0x31: {  	(xrf1) =	vsort.ascd.msk.f32 $0xffff, v9, v9;
	_ =	sdelay $0xd  }
0x32: {  	v9, _, _ =	vpop (xrf1)  }
.LBB2_9:
0x33: {  	(xrf1) =	vsort.ascd.msk.f32 $0xffff, v13, v13  }
0x34: {  	(xrf1) =	vsort.ascd.msk.f32 $0xffff, v14, v14  }
0x35: {  	(xrf1) =	vsort.ascd.msk.f32 $0xffff, v15, v15  }
0x36: {  	(xrf1) =	vsort.ascd.msk.f32 $0xffff, v16, v16  }
0x37: {  	(xrf1) =	vsort.ascd.msk.f32 $0xffff, v17, v17  }
0x38: {  	(xrf1) =	vsort.ascd.msk.f32 $0xffff, v18, v18  }
0x39: {  	(xrf1) =	vsort.ascd.msk.f32 $0xffff, v19, v19  }
0x3a: {  	(xrf1) =	vsort.ascd.msk.f32 $0xffff, v12, v12;
	_ =	sdelay $0x6  }
0x3b: {  	v25, _, _ =	vpop (xrf1)  }
0x3c: {  	v26, _, _ =	vpop (xrf1)  }
0x3d: {  	v27, _, _ =	vpop (xrf1)  }
0x3e: {  	v28, _, _ =	vpop (xrf1)  }
0x3f: {  	v29, _, _ =	vpop (xrf1)  }
0x40: {  	v13 =	vperm.xlane v26, v5;
	v30, _, _ =	vpop (xrf1)  }
0x41: {  	v15 =	vperm.xlane v28, v5;
	v31, _, _ =	vpop (xrf1)  }
0x42: {  	v12 =	vmin.f32 v25, v13;
	v33 =	vperm.xlane v30, v5;
	v32, _, _ =	vpop (xrf1)  }
0x43: {  	(xrf1) =	vsort.ascd.msk.f32 $0xffff, v12, v12;
	v34 =	vmin.f32 v27, v15;
	v35 =	vperm.xlane v32, v5  }
0x44: {  	(xrf1) =	vsort.ascd.msk.f32 $0xffff, v34, v34;
	v36 =	vmin.f32 v29, v33  }
0x45: {  	(xrf1) =	vsort.ascd.msk.f32 $0xffff, v36, v36;
	v37 =	vmin.f32 v31, v35  }
0x46: {  	(xrf1) =	vsort.ascd.msk.f32 $0xffff, v37, v37;
	_ =	sdelay $0xa  }
0x47: {  	v38, _, _ =	vpop (xrf1)  }
0x48: {  	v39, _, _ =	vpop (xrf1)  }
0x49: {  	v40, _, _ =	vpop (xrf1)  }
0x4a: {  	v13 =	vperm.xlane v39, v5;
	v41, _, _ =	vpop (xrf1)  }
0x4b: {  	v15 =	vperm.xlane v41, v5  }
0x4c: {  	v12 =	vmin.f32 v38, v13  }
0x4d: {  	(xrf1) =	vsort.ascd.msk.f32 $0xffff, v12, v12;
	v42 =	vmin.f32 v40, v15  }
0x4e: {  	(xrf1) =	vsort.ascd.msk.f32 $0xffff, v42, v42;
	_ =	sdelay $0xc  }
0x4f: {  	v43, _, _ =	vpop (xrf1)  }
0x50: {  	v44, _, _ =	vpop (xrf1)  }
0x51: {  	s20 =	sadd.s32 s20, s7;
	v13 =	vperm.xlane v44, v5  }
0x52: {  	s19 =	sadd.s32 s19, s20  }
0x53: {  	v45 =	vld.idx.msk [tilespmem:v6+s19+$0x0 ss:$0x1], $0xffff;
	v12 =	vmin.f32 v43, v13  }
0x54: {  	(xrf1) =	vsort.ascd.msk.f32 $0xffff, v12, v12;
	_ =	sdelay $0x3  }
0x55: {  	v12 =	vnsel vm2, $0x0, v45  }
0x56: {  	(xrf2) =	vadd.scan.msk.f32 $0xffff, v12  }
0x57: {  	(xrf0) =	vmax.scan.msk.f32 $0xffff, v10  }
0x58: {  	(xrf0) =	vmin.scan.msk.f32 $0xffff, v11;
	_ =	sdelay $0x4  }
0x59: {  	v10, _, _ =	vpop (xrf0)  }
0x5a: {  	v46, _, _ =	vpop (xrf0)  }
0x5b: {  	v11, _, _ =	vpop (xrf1)  }
0x5c: {  	v12 =	vbroadcast v46, $0xF;
	v47, _, _ =	vpop (xrf2);
	v11 =	vsub.f32 $0.0e+00, v11  }
0x5d: {  	v10 =	vbroadcast v10, $0xF;
	v13 =	vbroadcast v47, $0xF  }
0x5e: {  	v11 =	vmax.f32 v11, v12  }
0x5f: {  	v9 =	vmin.f32 v9, v10;
	v10 =	vsub.f32 v13, v11  }
0x60: {  	v9 =	vsub.f32 v13, v9  }
0x61: {  	v11 =	vbroadcast v10, $0x0  }
0x62: {  	v9 =	vand.u32 $0x7FFFFFFF, v9  }
0x63: {  	v48 =	vbroadcast v10, $0x1;
	v11 =	vsub.f32 v9, v11;
	_ =	sdelay $0x1  }
0x64: {  	v49 =	vbroadcast v10, $0x2;
	v12 =	vsub.f32 v9, v48;
	v11 =	vadd.f32 $3.000000120e-01, v11  }
0x65: {  	v50 =	vbroadcast v10, $0x3  }
0x66: {  	v13 =	vsub.f32 v9, v49;
	v12 =	vadd.f32 $3.000000120e-01, v12;
	v11 =	vmax.f32 v11, $0.0e+00  }
0x67: {  	v51 =	vbroadcast v10, $0x4;
	v14 =	vsub.f32 v9, v50;
	v11 =	vnsel vm1, $0x0, v11  }
0x68: {  	v13 =	vadd.f32 $3.000000120e-01, v13;
	v12 =	vmax.f32 v12, $0.0e+00;
	v8 =	vadd.f32 v11, v8  }
0x69: {  	v57 =	vbroadcast v10, $0x5;
	v54 =	vsub.f32 v9, v51;
	v11 =	vnsel vm1, $0x0, v12  }
0x6a: {  	v53 =	vadd.f32 $3.000000120e-01, v14;
	v52 =	vmax.f32 v13, $0.0e+00;
	v8 =	vadd.f32 v8, v11  }
0x6b: {  	v60 =	vbroadcast v10, $0x6;
	v59 =	vsub.f32 v9, v57;
	v11 =	vnsel vm1, $0x0, v52  }
0x6c: {  	v56 =	vadd.f32 $3.000000120e-01, v54;
	v55 =	vmax.f32 v53, $0.0e+00;
	v8 =	vadd.f32 v8, v11  }
0x6d: {  	v10 =	vbroadcast v10, $0x7;
	v62 =	vsub.f32 v9, v60;
	v11 =	vnsel vm1, $0x0, v55  }
0x6e: {  	v61 =	vadd.f32 $3.000000120e-01, v59;
	v58 =	vmax.f32 v56, $0.0e+00;
	v8 =	vadd.f32 v8, v11  }
0x6f: {  	v9 =	vsub.f32 v9, v10;
	v11 =	vnsel vm1, $0x0, v58  }
0x70: {  	v63 =	vadd.f32 $3.000000120e-01, v62;
	v8 =	vadd.f32 v8, v11;
	v11 =	vmax.f32 v61, $0.0e+00  }
0x71: {  	s18 =	sadd.s32 $0x1, s18;
	v10 =	vnsel vm1, $0x0, v11  }
0x72: {  	p0 =	sne.s32 s18, $0x10;
	v9 =	vadd.f32 $3.000000120e-01, v9;
	v8 =	vadd.f32 v8, v10;
	v10 =	vmax.f32 v63, $0.0e+00  }
.Ltmp3:
0x73: {  	v10 =	vnsel vm1, $0x0, v10;
	(pc) =	sbr.rel @!p0 .LBB2_10-.Ltmp3, $3  }
0x74: {  	v9 =	vmax.f32 v9, $0.0e+00;
	v8 =	vadd.f32 v8, v10  }
0x75: {  	v9 =	vnsel vm1, $0x0, v9  }
0x76: {  	v8 =	vadd.f32 v8, v9;
	_ =	sdelay $0x1  }
.LBB2_2:
0x77: {  	v9 =	vmov s18;
	s19 =	sshll.u32 s18, $0x9;
	s21 =	sshll.u32 s18, $0x7  }
0x78: {  	s22 =	simm.s32 $0x0;
	vm2 =	veq.s32 v9, v0;
	s20 =	sand.u32 $0x1000, s19;
	s19 =	sand.u32 $0x380, s21  }
0x79: {  	s23 =	sand.u32 $0x3000, s22;
	v9 =	vnsel vm2, $0x0, v7;
	s21 =	sor.u32 s19, s20  }
0x7a: {  	s23 =	sshrl.u32 s23, $0x2;
	(xrf0) =	vadd.scan.msk.s32 $0xffff, v9;
	s21 =	sadd.s32 $0x200, s21  }
0x7b: {  	s24 =	sand.u32 $0x70, s22;
	s23 =	sadd.s32 s23, s21  }
0x7c: {  	s23 =	sadd.s32 s24, s23  }
0x7d: {  	v10 =	vld [tilespmem:s23+$0x0]  }
0x7e: {  	s29 =	simm.s32 $0x200;
	v11 =	vld [tilespmem:s22+$0x0]  }
0x7f: {  	s30 =	sand.u32 $0x3000, s29  }
0x80: {  	s22 =	simm.s32 $0x10;
	s23 =	sshrl.u32 s30, $0x2;
	v9, _, _ =	vpop (xrf0)  }
0x81: {  	s31 =	sand.u32 $0x70, s22;
	s23 =	sadd.s32 s23, s21;
	v9 =	vbroadcast v9, $0xF  }
0x82: {  	v23 =	vimm.s32 $0x0;
	v29 =	vimm.f32 $+Inf;
	s23 =	sadd.s32 s31, s23;
	v12 =	vsub.f32 $0.0e+00, v10  }
0x83: {  	v27 =	vimm.f32 $+Inf;
	v26 =	vimm.f32 $+Inf;
	v22 =	vld [tilespmem:s23+$0x0];
	vm3 =	veq.s32 v11, v9  }
0x84: {  	v28 =	vimm.f32 $+Inf;
	v11 =	vimm.f32 $+Inf;
	v13 =	vsel vm3, $0x7F800000, v12  }
0x85: {  	v25 =	vimm.f32 $+Inf;
	v12 =	vimm.f32 $-Inf;
	v14 =	vmax.f32 v11, v13  }
0x86: {  	v21 =	vmin.f32 v11, v10;
	v24 =	vmax.f32 v12, v10;
	v15 =	vmax.f32 v11, v14  }
0x87: {  	v34 =	vld [tilespmem:s22+$0x0];
	v10 =	vnsel vm3, $0x7F800000, v10;
	v12 =	vsel vm3, $0x1, v4;
	v16 =	vmax.f32 v11, v15  }
0x88: {  	v32 =	vsub.f32 $0.0e+00, v22;
	v20 =	vmin.f32 v11, v10;
	v19 =	vmax.f32 v11, v16  }
0x89: {  	v10 =	vmax.f32 v11, v10;
	v31 =	vadd.s32 v12, v23;
	v18 =	vmax.f32 v11, v19  }
0x8a: {  	s24 =	simm.s32 $0x400;
	v23 =	vimm.f32 $+Inf;
	v17 =	vmin.f32 v11, v10;
	v12 =	vmax.f32 v11, v18  }
0x8b: {  	s25 =	simm.s32 $0x30;
	s26 =	sand.u32 $0x3000, s24;
	s23 =	simm.s32 $0x20;
	v10 =	vmax.f32 v24, v22;
	v24 =	vimm.f32 $+Inf;
	v30 =	vmovc v20;
	v33 =	vmax.f32 v11, v12  }
.LBB2_3:
0x8c: {  	p0 =	sne.s32 s25, $0x1F0;
	s26 =	sshrl.u32 s26, $0x2;
	vm3 =	veq.s32 v34, v9;
	v21 =	vmin.f32 v21, v22;
	v11 =	vmin.f32 v11, v33  }
0x8d: {  	s28 =	sand.u32 $0x70, s23;
	v29 =	vmin.f32 v29, v13;
	s23 =	smov.u32 s25;
	s26 =	sadd.s32 s26, s21;
	v33 =	vnsel vm3, $0x7F800000, v22;
	v13 =	vsel vm3, $0x7F800000, v32  }
0x8e: {  	v27 =	vmin.f32 v27, v14;
	s26 =	sadd.s32 s28, s26;
	v20 =	vmin.f32 v20, v33;
	v14 =	vmax.f32 v29, v13  }
0x8f: {  	s22 =	sadd.s32 $0x10, s22;
	v26 =	vmin.f32 v26, v15;
	v32 =	vmax.f32 v30, v33;
	v22 =	vld [tilespmem:s26+$0x0];
	v15 =	vmax.f32 v27, v14;
	v30 =	vmovc v20  }
.Ltmp4:
0x90: {  	v24 =	vmin.f32 v24, v16;
	v33 =	vsel vm3, $0x1, v4;
	v34 =	vld [tilespmem:s22+$0x0];
	v16 =	vmax.f32 v26, v15;
	(pc) =	sbr.rel @p0 .LBB2_3-.Ltmp4, $4  }
0x91: {  	v28 =	vmin.f32 v28, v19;
	v17 =	vmin.f32 v17, v32;
	v19 =	vmax.f32 v24, v16  }
0x92: {  	v25 =	vmin.f32 v25, v18;
	v31 =	vadd.s32 v33, v31;
	v18 =	vmax.f32 v28, v19  }
0x93: {  	s24 =	sadd.s32 $0x200, s24;
	v23 =	vmin.f32 v23, v12;
	v12 =	vmax.f32 v25, v18  }
0x94: {  	s25 =	sadd.s32 $0x10, s25;
	s26 =	sand.u32 $0x3000, s24;
	v10 =	vmax.f32 v10, v22;
	v32 =	vsub.f32 $0.0e+00, v22;
	v33 =	vmax.f32 v23, v12  }
0x95: {  	s22 =	sadd.s32 $0x10, s22  }
0x96: {  	v35 =	vld [tilespmem:s22+$0x0];
	_ =	sdelay $0x3  }
0x97: {  	vm4 =	veq.s32 v34, v9  }
0x98: {  	v34 =	vsel vm4, $0x1, v4;
	vm3 =	veq.s32 v35, v9  }
0x99: {  	v31 =	vadd.s32 v34, v31;
	v53 =	vsel vm3, $0x1, v4  }
0x9a: {  	v31 =	vadd.s32 v53, v31  }
0x9b: {  	v31 =	vxor.u32 $0x80000000, v31  }
0x9c: {  	(xrf0) =	vmax.scan.msk.u32 $0xffff, v31;
	_ =	sdelay $0x5  }
0x9d: {  	v31, _, _ =	vpop (xrf0)  }
0x9e: {  	(v2sf) =	vpush v31, $0xF;
	_ =	sdelay $0x2  }
0x9f: {  	s30 =	sshrl.u32 s26, $0x2  }
0xa0: {  	s23 =	sand.u32 $0x70, s23;
	v21 =	vmin.f32 v21, v22;
	s22 =	sadd.s32 s30, s21  }
0xa1: {  	v13 =	vmin.f32 v29, v13;
	v14 =	vmin.f32 v27, v14;
	v15 =	vmin.f32 v26, v15;
	s22 =	sadd.s32 s23, s22  }
0xa2: {  	v16 =	vmin.f32 v24, v16;
	v19 =	vmin.f32 v28, v19;
	v18 =	vmin.f32 v25, v18;
	v55 =	vld [tilespmem:s22+$0x0]  }
0xa3: {  	v12 =	vmin.f32 v23, v12;
	v54 =	vnsel vm4, $0x7F800000, v22;
	v32 =	vsel vm4, $0x7F800000, v32  }
0xa4: {  	v22 =	vmin.f32 v11, v33;
	v11 =	vmax.f32 v13, v32;
	v56 =	vmin.f32 v20, v54  }
0xa5: {  	v57 =	vmax.f32 v30, v54;
	v13 =	vmin.f32 v13, v32;
	v20 =	vmax.f32 v14, v11  }
0xa6: {  	v17 =	vmin.f32 v17, v57;
	v14 =	vmin.f32 v14, v11;
	v58 =	vmax.f32 v15, v20  }
0xa7: {  	v15 =	vmin.f32 v15, v20;
	v24 =	vmax.f32 v16, v58;
	v59 =	vsub.f32 $0.0e+00, v55  }
0xa8: {  	v16 =	vmin.f32 v16, v58;
	v60 =	vmax.f32 v19, v24;
	v19 =	vmin.f32 v19, v24  }
0xa9: {  	v25 =	vmax.f32 v18, v60;
	v18 =	vmin.f32 v18, v60;
	v28 =	vsel vm3, $0x7F800000, v59  }
0xaa: {  	v10 =	vmax.f32 v10, v55;
	v20 =	vmax.f32 v12, v25;
	v23 =	vmax.f32 v13, v28  }
0xab: {  	v11 =	vmin.f32 v21, v55;
	v21 =	vnsel vm3, $0x7F800000, v55;
	v61 =	vmax.f32 v14, v23;
	s31 =	spop (v2sf)  }
0xac: {  	v25 =	vmin.f32 v12, v25;
	v22 =	vmin.f32 v22, v20;
	v62 =	vmax.f32 v15, v61;
	p0 =	slt.u32 s31, $0x80000003  }
.Ltmp5:
0xad: {  	v20 =	vmin.f32 v56, v21;
	v12 =	vmax.f32 v56, v21;
	v29 =	vmax.f32 v16, v62;
	(pc) =	sbr.rel @p0 .LBB2_8-.Ltmp5, $4  }
0xae: {  	v21 =	vmin.f32 v17, v12;
	v13 =	vmin.f32 v13, v28;
	v24 =	vmax.f32 v19, v29  }
0xaf: {  	v14 =	vmin.f32 v14, v23;
	v15 =	vmin.f32 v15, v61;
	v26 =	vmax.f32 v18, v24  }
0xb0: {  	v16 =	vmin.f32 v16, v62;
	v17 =	vmin.f32 v19, v29;
	v63 =	vmax.f32 v25, v26  }
0xb1: {  	v18 =	vmin.f32 v18, v24;
	v19 =	vmin.f32 v25, v26;
	v12 =	vmin.f32 v22, v63  }
0xb2: {  	s22 =	simm.s32 $0x0  }
0xb3: {  	s23 =	sand.u32 $0x3000, s22  }
0xb4: {  	s23 =	sshrl.u32 s23, $0x2  }
0xb5: {  	s24 =	sand.u32 $0x70, s22;
	s23 =	sadd.s32 s23, s21  }
0xb6: {  	v20 =	vld [tilespmem:s22+$0x0];
	s23 =	sadd.s32 s24, s23  }
0xb7: {  	v21 =	vld [tilespmem:s23+$0x0];
	_ =	sdelay $0x3  }
0xb8: {  	vm3 =	veq.s32 v20, v9  }
0xb9: {  	v20 =	vnsel vm3, $0x7F800000, v21  }
0xba: {  	(xrf1) =	vsort.ascd.msk.f32 $0xffff, v20, v20;
	_ =	sdelay $0x4  }
0xbb: {  	s29 =	simm.s32 $0x200  }
0xbc: {  	s30 =	sand.u32 $0x3000, s29  }
0xbd: {  	s22 =	simm.s32 $0x10;
	s23 =	sshrl.u32 s30, $0x2  }
0xbe: {  	s31 =	sand.u32 $0x70, s22;
	s23 =	sadd.s32 s23, s21  }
0xbf: {  	s23 =	sadd.s32 s31, s23;
	v20 =	vld [tilespmem:s22+$0x0]  }
0xc0: {  	v62 =	vld [tilespmem:s23+$0x0];
	_ =	sdelay $0x3  }
0xc1: {  	vm3 =	veq.s32 v20, v9;
	v22, _, _ =	vpop (xrf1)  }
0xc2: {  	v21 =	vnsel vm3, $0x7F800000, v62;
	v20 =	vperm.xlane v22, v5  }
0xc3: {  	v63 =	vimm.f32 $+Inf;
	(xrf1) =	vsort.ascd.msk.f32 $0xffff, v21, v21  }
0xc4: {  	v20 =	vmin.f32 v63, v20  }
0xc5: {  	(xrf1) =	vsort.ascd.msk.f32 $0xffff, v20, v20;
	_ =	sdelay $0x2  }
0xc6: {  	s23 =	simm.s32 $0x400  }
0xc7: {  	s25 =	simm.s32 $0x20;
	s24 =	simm.s32 $0x30;
	s26 =	sand.u32 $0x3000, s23  }
.LBB2_6:
0xc8: {  	p0 =	seq.s32 s24, $0x1F0;
	s26 =	sshrl.u32 s26, $0x2  }
0xc9: {  	s25 =	sand.u32 $0x70, s25;
	s22 =	sadd.s32 $0x10, s22;
	s26 =	sadd.s32 s26, s21  }
0xca: {  	s26 =	sadd.s32 s25, s26;
	v20 =	vld [tilespmem:s22+$0x0];
	s25 =	smov.u32 s24  }
0xcb: {  	v21 =	vld [tilespmem:s26+$0x0];
	_ =	sdelay $0x3  }
0xcc: {  	vm3 =	veq.s32 v20, v9;
	v20, _, _ =	vpop (xrf1)  }
0xcd: {  	v22 =	vnsel vm3, $0x7F800000, v21;
	v20 =	vperm.xlane v20, v5  }
0xce: {  	(xrf1) =	vsort.ascd.msk.f32 $0xffff, v22, v22;
	v21, _, _ =	vpop (xrf1)  }
0xcf: {  	v20 =	vmin.f32 v21, v20  }
.Ltmp6:
0xd0: {  	(xrf1) =	vsort.ascd.msk.f32 $0xffff, v20, v20;
	(pc) =	sbr.rel @!p0 .LBB2_6-.Ltmp6, $3  }
0xd1: {  	_ =	sdelay $0x1  }
0xd2: {  	s23 =	sadd.s32 $0x200, s23  }
0xd3: {  	s24 =	sadd.s32 $0x10, s24;
	s26 =	sand.u32 $0x3000, s23  }
0xd4: {  	s23 =	sshrl.u32 s26, $0x2  }
0xd5: {  	s24 =	sand.u32 $0x70, s25;
	s22 =	sadd.s32 $0x10, s22;
	s21 =	sadd.s32 s23, s21  }
0xd6: {  	v20 =	vld [tilespmem:s22+$0x0];
	s21 =	sadd.s32 s24, s21  }
0xd7: {  	v21 =	vld [tilespmem:s21+$0x0];
	_ =	sdelay $0x3  }
0xd8: {  	vm3 =	veq.s32 v20, v9  }
0xd9: {  	v20 =	vnsel vm3, $0x7F800000, v21  }
0xda: {  	v9, _, _ =	vpop (xrf1)  }
0xdb: {  	v9 =	vperm.xlane v9, v5  }
0xdc: {  	(xrf1) =	vsort.ascd.msk.f32 $0xffff, v20, v20;
	v20, _, _ =	vpop (xrf1)  }
0xdd: {  	v9 =	vmin.f32 v20, v9  }
0xde: {  	(xrf1) =	vsort.ascd.msk.f32 $0xffff, v9, v9;
	_ =	sdelay $0xb  }
0xdf: {  	v9, _, _ =	vpop (xrf1)  }
0xe0: {  	v9 =	vperm.xlane v9, v5  }
0xe1: {  	v20, _, _ =	vpop (xrf1)  }
0xe2: {  	v9 =	vmin.f32 v20, v9  }
0xe3: {  	(xrf1) =	vsort.ascd.msk.f32 $0xffff, v9, v9;
	_ =	sdelay $0x9  }
.Ltmp7:
0xe4: {  	_ = 	snop;
	(pc) =	sbr.rel .LBB2_9-.Ltmp7, $2  }
0xe5: {  	_ =	sdelay $0x2  }
0xe6: {  	v9, _, _ =	vpop (xrf1)  }
.LBB2_11:
0xe7: {  	_ =	sfence.sel $0x180000  }
0xe8: {  	[bflag:$0x0] =	sbarrier.arrive $0xFFFF  }
0xe9: {  	p0 =	sne.s32 s2, $0x0;
	_ =	strace $0x90000047  }
0xea: {  	s0 =	sadd.s32 @!p0 $0x100000, s0;
	[bflag:$0x2] =	sbarrier.arrive $0xFFFF  }
0xeb: {  	[sflag:s0] =	ssyncadd.tile.s32 @!p0 $0x1;
	_ =	shalt  }
.Lfunc_end2:
_tile_overlayer_lowered:
.L_overlay_start_2:
0xec: {  	(tag) =	ssettag $0x2  }
0xed: {  	s0 =	rddreg [dreg:$0x0];
	s2 =	stileid.u32  }
0xee: {  	s1 =	rddreg [dreg:$0x1];
	p0 =	sne.s32 s2, $0x0  }
0xef: {  	s3 =	rddreg [dreg:$0x2];
	[bflag:$0x3] =	sbarrier.arrive $0xFFFF;
	s2 =	simm.s32 @!p0 $0x1C02  }
0xf0: {  	[timem:s3], [sflag:s2] =	dma.local @!p0 [hbm:s0], s1  }
0xf1: {  	s0 =	simm.s32 @!p0 $0x2  }
0xf2: {  	_ =	swait.ge @!p0 [sflag:s0], s1  }
0xf3: {  	s1 =	ssub.s32 @!p0 $0x0, s1;
	[sflag:s0] =	ssyncset.done @!p0 $0x0  }
0xf4: {  	[sflag:s0] =	ssyncadd.s32 @!p0 s1  }
0xf5: {  	[bflag:$0x3] =	sbarrier.arrive $0xFFFF  }
0xf6: {  	_ =	shalt  }

</sc_bundles>
